<compile_context>
chip_gen: v7x
topology: tpu7x:2x2x1
jax: 0.10.2.dev20260603
libtpu: 0.0.44.dev20260713+nightly
codegen_flags: <defaults>
</compile_context>

<pallas_src>
import functools

import jax
import jax.numpy as jnp
from jax import lax
from jax.experimental import pallas as pl
from jax.experimental.pallas import tpu as pltpu
from jax.experimental.pallas import tpu_sc as plsc

BATCH = 16384
D = 32
L = 16
NC = 2
NS = 16
NW = NC * NS
BPW = BATCH // NW
NCH = 2
CHUNKS = BPW // NCH
NBUF = 2
ROUNDS = CHUNKS // NBUF
GROUPS = BPW // L

_mesh = plsc.VectorSubcoreMesh(core_axis_name="c", subcore_axis_name="s")


@functools.partial(
    pl.kernel,
    mesh=_mesh,
    out_type=jax.ShapeDtypeStruct((BATCH,), jnp.float32),
    compiler_params=pltpu.CompilerParams(
        needs_layout_passes=False, use_tc_tiling_on_sc=True
    ),
    scratch_types=[
        pltpu.VMEM((BPW + L,), jnp.int32),
        pltpu.VMEM((BPW + L,), jnp.int32),
        pltpu.VMEM((NBUF, NCH, 32, 128), jnp.float32),
        pltpu.VMEM((NBUF, NCH, 32, 128), jnp.float32),
        pltpu.VMEM((BPW, L), jnp.float32),
        pltpu.VMEM((BPW,), jnp.float32),
        pltpu.VMEM((L,), jnp.float32),
        pltpu.SemaphoreType.DMA((NBUF,)),
    ],
)
def _emb_fwd(uidx_hbm, midx_hbm, ut_hbm, mt_hbm, fc_hbm, out_hbm,
             uidx_v, midx_v, uslab_v, mslab_v, q_v, out_v, fc_v, sem):
    wid = lax.axis_index("s") * NC + lax.axis_index("c")
    base = wid * BPW

    pltpu.sync_copy(uidx_hbm.at[pl.ds(base, BPW)], uidx_v.at[pl.ds(0, BPW)])
    pltpu.sync_copy(midx_hbm.at[pl.ds(base, BPW)], midx_v.at[pl.ds(0, BPW)])
    pltpu.sync_copy(fc_hbm, fc_v)

    fcvec = fc_v[:]
    w = fcvec[0]
    b = fcvec[1]
    iota = lax.iota(jnp.int32, L)

    def issue(g, slot):
        uvec = uidx_v[pl.ds(g * NCH, L)]
        mvec = midx_v[pl.ds(g * NCH, L)]
        for k in range(NCH):
            cu = pl.multiple_of((uvec[k] >> 7) * 128, 128)
            cm = pl.multiple_of((mvec[k] >> 7) * 128, 128)
            pltpu.async_copy(
                ut_hbm.at[:, pl.ds(cu, 128)],
                uslab_v.at[slot, k], sem.at[slot])
            pltpu.async_copy(
                mt_hbm.at[:, pl.ds(cm, 128)],
                mslab_v.at[slot, k], sem.at[slot])

    def drain(slot):
        for k in range(NCH):
            pltpu.make_async_copy(
                ut_hbm.at[:, pl.ds(0, 128)],
                uslab_v.at[slot, k], sem.at[slot]).wait()
            pltpu.make_async_copy(
                mt_hbm.at[:, pl.ds(0, 128)],
                mslab_v.at[slot, k], sem.at[slot]).wait()

    def compute(g, slot):
        uvec = uidx_v[pl.ds(g * NCH, L)]
        mvec = midx_v[pl.ds(g * NCH, L)]
        for k in range(NCH):
            lu = jnp.full((L,), uvec[k] & 127, jnp.int32)
            lm = jnp.full((L,), mvec[k] & 127, jnp.int32)
            ulo = plsc.load_gather(uslab_v.at[slot, k], [iota, lu])
            uhi = plsc.load_gather(uslab_v.at[slot, k], [iota + L, lu])
            mlo = plsc.load_gather(mslab_v.at[slot, k], [iota, lm])
            mhi = plsc.load_gather(mslab_v.at[slot, k], [iota + L, lm])
            q_v[g * NCH + k] = ulo * mlo + uhi * mhi

    for s in range(NBUF):
        issue(s, s)

    def round_body(r, _):
        for s in range(NBUF):
            g = r * NBUF + s
            drain(s)
            compute(g, s)

            @pl.when(g + NBUF < CHUNKS)
            def _():
                issue(g + NBUF, s)

        return 0

    lax.fori_loop(0, ROUNDS, round_body, 0)

    def reduce_body(g, _):
        rows = g * L + iota
        acc = jnp.zeros((L,), jnp.float32)
        for j in range(L):
            cols = (iota + j) & (L - 1)
            acc = acc + plsc.load_gather(q_v, [rows, cols])
        z = acc * w + b
        out_v[pl.ds(g * L, L)] = 1.0 / (1.0 + jnp.exp(-z))
        return 0

    lax.fori_loop(0, GROUPS, reduce_body, 0)

    pltpu.sync_copy(out_v, out_hbm.at[pl.ds(base, BPW)])


def kernel(x, u_table, m_table, fc_w, fc_b):
    uidx = x[:, 0].astype(jnp.int32)
    midx = x[:, 1].astype(jnp.int32)
    ut = u_table.T
    mt = m_table.T
    fc = jnp.zeros((L,), jnp.float32)
    fc = fc.at[0].set(fc_w[0, 0]).at[1].set(fc_b[0])
    out = _emb_fwd(uidx, midx, ut, mt, fc)
    return out.reshape(BATCH, 1)

# --- scband reference (transcript-rebuilt; emitter-appended) ---
"""Pipeline reference for scband-user-movie-embedding-20701742367012 (READ-ONLY COPY).

The authoritative reference and input builder live on the scoring server;
editing this copy changes nothing except your own understanding.
"""

import jax, jax.numpy as jnp
import numpy as np

LEN_USERS = 1000000
LEN_MOVIES = 1000000
EMB_DIM = 32
BATCH = 16384

def setup_inputs(seed: int = 0) -> dict:
    key = jax.random.key(seed)
    k1, k2, k3, k4, k5 = jax.random.split(key, 5)
    x = jax.random.randint(k1, (BATCH, 2), 0, min(LEN_USERS, LEN_MOVIES))
    u_table = jax.random.normal(k2, (LEN_USERS, EMB_DIM), dtype=jnp.float32)
    m_table = jax.random.normal(k3, (LEN_MOVIES, EMB_DIM), dtype=jnp.float32)
    fc_w = jax.random.normal(k4, (1, 1), dtype=jnp.float32)
    fc_b = jax.random.normal(k5, (1,), dtype=jnp.float32)
    return {"x": x, "u_table": u_table, "m_table": m_table, "fc_w": fc_w, "fc_b": fc_b}

def reference(x, u_table, m_table, fc_w, fc_b):
    user_ids = x[:, 0]
    movie_ids = x[:, 1]
    uemb = jnp.take(u_table, user_ids, axis=0)
    memb = jnp.take(m_table, movie_ids, axis=0)
    m_u = jnp.sum(uemb * memb, axis=1, keepdims=True)
    out = jax.nn.sigmoid(jnp.dot(m_u, fc_w.T) + fc_b)
    return out

if __name__ == "__main__":
    import jax
    _d = setup_inputs()
    print(jax.jit(kernel)(*tuple(_d.values())))

</pallas_src>

<mosaic_0001>
#map = affine_map<(d0, d1) -> (0)>
#map1 = affine_map<(d0, d1) -> (0, 0)>
module attributes {stable_mosaic.version = 14 : i64} {
  func.func @_emb_fwd(%arg0: i32, %arg1: i32, %arg2: memref<16384xi32, #tpu.memory_space<hbm>>, %arg3: memref<16384xi32, #tpu.memory_space<hbm>>, %arg4: memref<32x1000000xf32, #tpu.memory_space<hbm>>, %arg5: memref<32x1000000xf32, #tpu.memory_space<hbm>>, %arg6: memref<16xf32, #tpu.memory_space<hbm>>, %arg7: memref<16384xf32, #tpu.memory_space<hbm>>, %arg8: memref<528xi32, #tpu.memory_space<vmem>>, %arg9: memref<528xi32, #tpu.memory_space<vmem>>, %arg10: memref<2x2x32x128xf32, #tpu.memory_space<vmem>>, %arg11: memref<2x2x32x128xf32, #tpu.memory_space<vmem>>, %arg12: memref<512x16xf32, #tpu.memory_space<vmem>>, %arg13: memref<512xf32, #tpu.memory_space<vmem>>, %arg14: memref<16xf32, #tpu.memory_space<vmem>>, %arg15: memref<2x!tpu.dma_semaphore, #tpu.memory_space<semaphore_mem>>) attributes {dimension_semantics = [#tpu.dimension_semantics<core_parallel>, #tpu.dimension_semantics<subcore_parallel>], iteration_bounds = array<i64: 2, 16>, scalar_prefetch = 0 : i64, scratch_operands = 8 : i64, tpu.core_type = #tpu.core_type<sc_vector_subcore>, window_params = [{transform_indices = #map}, {transform_indices = #map}, {transform_indices = #map1}, {transform_indices = #map1}, {transform_indices = #map}, {transform_indices = #map}]} {
    %mul3A = arith.constant 2 : i32
    %mul3A_0 = arith.muli %arg1, %mul3A : i32
    %add3A = arith.addi %mul3A_0, %arg0 : i32
    %mul3A_1 = arith.constant 512 : i32
    %mul3A_2 = arith.muli %add3A, %mul3A_1 : i32
    "tpu.region"() ({
      %run_scoped3A = tpu.sem_alloc : memref<!tpu.dma_semaphore, #tpu.memory_space<semaphore_mem>>
      %dma_start3A_216 = arith.constant 0 : i32
      %dma_start3A_217 = tpu.memref_slice %arg8[%dma_start3A_216] : memref<528xi32, #tpu.memory_space<vmem>> -> memref<512xi32, #tpu.memory_space<vmem>>
      %dma_start3A_218 = tpu.memref_slice %arg2[%mul3A_2] : memref<16384xi32, #tpu.memory_space<hbm>> -> memref<512xi32, #tpu.memory_space<hbm>>
      %dma_start3A_219 = arith.constant 0 : i32
      %dma_start3A_220 = tpu.memref_slice %arg8[%dma_start3A_219] : memref<528xi32, #tpu.memory_space<vmem>> -> memref<512xi32, #tpu.memory_space<vmem>>
      %dma_start3A_221 = tpu.memref_slice %arg2[%mul3A_2] : memref<16384xi32, #tpu.memory_space<hbm>> -> memref<512xi32, #tpu.memory_space<hbm>>
      tpu.enqueue_dma source(%dma_start3A_221 : memref<512xi32, #tpu.memory_space<hbm>>) target(%dma_start3A_220 : memref<512xi32, #tpu.memory_space<vmem>>) target_semaphore(%run_scoped3A : memref<!tpu.dma_semaphore, #tpu.memory_space<semaphore_mem>>)
      %dma_wait3A = arith.constant 0 : i32
      %dma_wait3A_222 = tpu.memref_slice %arg8[%dma_wait3A] : memref<528xi32, #tpu.memory_space<vmem>> -> memref<512xi32, #tpu.memory_space<vmem>>
      %dma_wait3A_223 = tpu.memref_slice %arg2[%mul3A_2] : memref<16384xi32, #tpu.memory_space<hbm>> -> memref<512xi32, #tpu.memory_space<hbm>>
      %dma_wait3A_224 = arith.constant 0 : i32
      %dma_wait3A_225 = tpu.memref_slice %arg8[%dma_wait3A_224] : memref<528xi32, #tpu.memory_space<vmem>> -> memref<512xi32, #tpu.memory_space<vmem>>
      %dma_wait3A_226 = tpu.memref_slice %arg2[%mul3A_2] : memref<16384xi32, #tpu.memory_space<hbm>> -> memref<512xi32, #tpu.memory_space<hbm>>
      tpu.wait_dma2 semaphore(%run_scoped3A : memref<!tpu.dma_semaphore, #tpu.memory_space<semaphore_mem>>) src(%dma_wait3A_226 : memref<512xi32, #tpu.memory_space<hbm>>) dst(%dma_wait3A_225 : memref<512xi32, #tpu.memory_space<vmem>>)
      tpu.yield
    }) : () -> ()
    "tpu.region"() ({
      %run_scoped3A = tpu.sem_alloc : memref<!tpu.dma_semaphore, #tpu.memory_space<semaphore_mem>>
      %dma_start3A_216 = arith.constant 0 : i32
      %dma_start3A_217 = tpu.memref_slice %arg9[%dma_start3A_216] : memref<528xi32, #tpu.memory_space<vmem>> -> memref<512xi32, #tpu.memory_space<vmem>>
      %dma_start3A_218 = tpu.memref_slice %arg3[%mul3A_2] : memref<16384xi32, #tpu.memory_space<hbm>> -> memref<512xi32, #tpu.memory_space<hbm>>
      %dma_start3A_219 = arith.constant 0 : i32
      %dma_start3A_220 = tpu.memref_slice %arg9[%dma_start3A_219] : memref<528xi32, #tpu.memory_space<vmem>> -> memref<512xi32, #tpu.memory_space<vmem>>
      %dma_start3A_221 = tpu.memref_slice %arg3[%mul3A_2] : memref<16384xi32, #tpu.memory_space<hbm>> -> memref<512xi32, #tpu.memory_space<hbm>>
      tpu.enqueue_dma source(%dma_start3A_221 : memref<512xi32, #tpu.memory_space<hbm>>) target(%dma_start3A_220 : memref<512xi32, #tpu.memory_space<vmem>>) target_semaphore(%run_scoped3A : memref<!tpu.dma_semaphore, #tpu.memory_space<semaphore_mem>>)
      %dma_wait3A = arith.constant 0 : i32
      %dma_wait3A_222 = tpu.memref_slice %arg9[%dma_wait3A] : memref<528xi32, #tpu.memory_space<vmem>> -> memref<512xi32, #tpu.memory_space<vmem>>
      %dma_wait3A_223 = tpu.memref_slice %arg3[%mul3A_2] : memref<16384xi32, #tpu.memory_space<hbm>> -> memref<512xi32, #tpu.memory_space<hbm>>
      %dma_wait3A_224 = arith.constant 0 : i32
      %dma_wait3A_225 = tpu.memref_slice %arg9[%dma_wait3A_224] : memref<528xi32, #tpu.memory_space<vmem>> -> memref<512xi32, #tpu.memory_space<vmem>>
      %dma_wait3A_226 = tpu.memref_slice %arg3[%mul3A_2] : memref<16384xi32, #tpu.memory_space<hbm>> -> memref<512xi32, #tpu.memory_space<hbm>>
      tpu.wait_dma2 semaphore(%run_scoped3A : memref<!tpu.dma_semaphore, #tpu.memory_space<semaphore_mem>>) src(%dma_wait3A_226 : memref<512xi32, #tpu.memory_space<hbm>>) dst(%dma_wait3A_225 : memref<512xi32, #tpu.memory_space<vmem>>)
      tpu.yield
    }) : () -> ()
    "tpu.region"() ({
      %run_scoped3A = tpu.sem_alloc : memref<!tpu.dma_semaphore, #tpu.memory_space<semaphore_mem>>
      tpu.enqueue_dma source(%arg6 : memref<16xf32, #tpu.memory_space<hbm>>) target(%arg14 : memref<16xf32, #tpu.memory_space<vmem>>) target_semaphore(%run_scoped3A : memref<!tpu.dma_semaphore, #tpu.memory_space<semaphore_mem>>)
      tpu.wait_dma2 semaphore(%run_scoped3A : memref<!tpu.dma_semaphore, #tpu.memory_space<semaphore_mem>>) src(%arg6 : memref<16xf32, #tpu.memory_space<hbm>>) dst(%arg14 : memref<16xf32, #tpu.memory_space<vmem>>)
      tpu.yield
    }) : () -> ()
    %get3A = arith.constant 0 : index
    %get3A_3 = tpu.vector_load %arg14[%get3A] {strides = array<i32>} : memref<16xf32, #tpu.memory_space<vmem>>, vector<16xf32>,
    %slice3A = vector.extract_strided_slice %get3A_3 {offsets = [0], sizes = [1], strides = [1]} : vector<16xf32> to vector<1xf32>
    %squeeze3A = vector.extract %slice3A[0] : f32 from vector<1xf32>
    %slice3A_4 = vector.extract_strided_slice %get3A_3 {offsets = [1], sizes = [1], strides = [1]} : vector<16xf32> to vector<1xf32>
    %squeeze3A_5 = vector.extract %slice3A_4[0] : f32 from vector<1xf32>
    %iota3A = tpu.iota {dimensions = array<i32: 0>} : vector<16xi32>
    %get3A_6 = arith.constant 0 : index
    %get3A_7 = tpu.vector_load %arg8[%get3A_6] {strides = array<i32>} : memref<528xi32, #tpu.memory_space<vmem>>, vector<16xi32>,
    %get3A_8 = arith.constant 0 : index
    %get3A_9 = tpu.vector_load %arg9[%get3A_8] {strides = array<i32>} : memref<528xi32, #tpu.memory_space<vmem>>, vector<16xi32>,
    %slice3A_10 = vector.extract_strided_slice %get3A_7 {offsets = [0], sizes = [1], strides = [1]} : vector<16xi32> to vector<1xi32>
    %squeeze3A_11 = vector.extract %slice3A_10[0] : i32 from vector<1xi32>
    %shift_right_arithmetic3A = arith.constant 7 : i32
    %shift_right_arithmetic3A_12 = arith.shrsi %squeeze3A_11, %shift_right_arithmetic3A : i32
    %mul3A_13 = arith.constant 128 : i32
    %mul3A_14 = arith.muli %shift_right_arithmetic3A_12, %mul3A_13 : i32
    %multiple_of3A = tpu.assume_multiple %mul3A_14, 128 : i32
    %slice3A_15 = vector.extract_strided_slice %get3A_9 {offsets = [0], sizes = [1], strides = [1]} : vector<16xi32> to vector<1xi32>
    %squeeze3A_16 = vector.extract %slice3A_15[0] : i32 from vector<1xi32>
    %shift_right_arithmetic3A_17 = arith.constant 7 : i32
    %shift_right_arithmetic3A_18 = arith.shrsi %squeeze3A_16, %shift_right_arithmetic3A_17 : i32
    %mul3A_19 = arith.constant 128 : i32
    %mul3A_20 = arith.muli %shift_right_arithmetic3A_18, %mul3A_19 : i32
    %multiple_of3A_21 = tpu.assume_multiple %mul3A_20, 128 : i32
    %dma_start3A = arith.constant 0 : i32
    %dma_start3A_22 = arith.constant 0 : i32
    %dma_start3A_23 = arith.constant 0 : i32
    %dma_start3A_24 = arith.constant 0 : i32
    %dma_start3A_25 = arith.constant 0 : i32
    %dma_start3A_26 = tpu.memref_slice %arg10[%dma_start3A, %dma_start3A_22, %dma_start3A_24, %dma_start3A_25] : memref<2x2x32x128xf32, #tpu.memory_space<vmem>> -> memref<1x1x32x128xf32, #tpu.memory_space<vmem>>
    %dma_start3A_27 = tpu.memref_squeeze %dma_start3A_26 : memref<1x1x32x128xf32, #tpu.memory_space<vmem>> -> memref<32x128xf32, #tpu.memory_space<vmem>>
    %dma_start3A_28 = arith.constant 0 : i32
    %dma_start3A_29 = tpu.memref_slice %arg4[%dma_start3A_28, %multiple_of3A] : memref<32x1000000xf32, #tpu.memory_space<hbm>> -> memref<32x128xf32, #tpu.memory_space<hbm>>
    %dma_start3A_30 = tpu.memref_slice %arg15[%dma_start3A_23] : memref<2x!tpu.dma_semaphore, #tpu.memory_space<semaphore_mem>> -> memref<1x!tpu.dma_semaphore, #tpu.memory_space<semaphore_mem>>
    %dma_start3A_31 = tpu.memref_squeeze %dma_start3A_30 : memref<1x!tpu.dma_semaphore, #tpu.memory_space<semaphore_mem>> -> memref<!tpu.dma_semaphore, #tpu.memory_space<semaphore_mem>>
    %dma_start3A_32 = arith.constant 0 : i32
    %dma_start3A_33 = arith.constant 0 : i32
    %dma_start3A_34 = tpu.memref_slice %arg10[%dma_start3A, %dma_start3A_22, %dma_start3A_32, %dma_start3A_33] : memref<2x2x32x128xf32, #tpu.memory_space<vmem>> -> memref<1x1x32x128xf32, #tpu.memory_space<vmem>>
    %dma_start3A_35 = tpu.memref_squeeze %dma_start3A_34 : memref<1x1x32x128xf32, #tpu.memory_space<vmem>> -> memref<32x128xf32, #tpu.memory_space<vmem>>
    %dma_start3A_36 = arith.constant 0 : i32
    %dma_start3A_37 = tpu.memref_slice %arg4[%dma_start3A_36, %multiple_of3A] : memref<32x1000000xf32, #tpu.memory_space<hbm>> -> memref<32x128xf32, #tpu.memory_space<hbm>>
    tpu.enqueue_dma source(%dma_start3A_37 : memref<32x128xf32, #tpu.memory_space<hbm>>) target(%dma_start3A_35 : memref<32x128xf32, #tpu.memory_space<vmem>>) target_semaphore(%dma_start3A_31 : memref<!tpu.dma_semaphore, #tpu.memory_space<semaphore_mem>>)
    %dma_start3A_38 = arith.constant 0 : i32
    %dma_start3A_39 = arith.constant 0 : i32
    %dma_start3A_40 = arith.constant 0 : i32
    %dma_start3A_41 = arith.constant 0 : i32
    %dma_start3A_42 = arith.constant 0 : i32
    %dma_start3A_43 = tpu.memref_slice %arg11[%dma_start3A_38, %dma_start3A_39, %dma_start3A_41, %dma_start3A_42] : memref<2x2x32x128xf32, #tpu.memory_space<vmem>> -> memref<1x1x32x128xf32, #tpu.memory_space<vmem>>
    %dma_start3A_44 = tpu.memref_squeeze %dma_start3A_43 : memref<1x1x32x128xf32, #tpu.memory_space<vmem>> -> memref<32x128xf32, #tpu.memory_space<vmem>>
    %dma_start3A_45 = arith.constant 0 : i32
    %dma_start3A_46 = tpu.memref_slice %arg5[%dma_start3A_45, %multiple_of3A_21] : memref<32x1000000xf32, #tpu.memory_space<hbm>> -> memref<32x128xf32, #tpu.memory_space<hbm>>
    %dma_start3A_47 = tpu.memref_slice %arg15[%dma_start3A_40] : memref<2x!tpu.dma_semaphore, #tpu.memory_space<semaphore_mem>> -> memref<1x!tpu.dma_semaphore, #tpu.memory_space<semaphore_mem>>
    %dma_start3A_48 = tpu.memref_squeeze %dma_start3A_47 : memref<1x!tpu.dma_semaphore, #tpu.memory_space<semaphore_mem>> -> memref<!tpu.dma_semaphore, #tpu.memory_space<semaphore_mem>>
    %dma_start3A_49 = arith.constant 0 : i32
    %dma_start3A_50 = arith.constant 0 : i32
    %dma_start3A_51 = tpu.memref_slice %arg11[%dma_start3A_38, %dma_start3A_39, %dma_start3A_49, %dma_start3A_50] : memref<2x2x32x128xf32, #tpu.memory_space<vmem>> -> memref<1x1x32x128xf32, #tpu.memory_space<vmem>>
    %dma_start3A_52 = tpu.memref_squeeze %dma_start3A_51 : memref<1x1x32x128xf32, #tpu.memory_space<vmem>> -> memref<32x128xf32, #tpu.memory_space<vmem>>
    %dma_start3A_53 = arith.constant 0 : i32
    %dma_start3A_54 = tpu.memref_slice %arg5[%dma_start3A_53, %multiple_of3A_21] : memref<32x1000000xf32, #tpu.memory_space<hbm>> -> memref<32x128xf32, #tpu.memory_space<hbm>>
    tpu.enqueue_dma source(%dma_start3A_54 : memref<32x128xf32, #tpu.memory_space<hbm>>) target(%dma_start3A_52 : memref<32x128xf32, #tpu.memory_space<vmem>>) target_semaphore(%dma_start3A_48 : memref<!tpu.dma_semaphore, #tpu.memory_space<semaphore_mem>>)
    %slice3A_55 = vector.extract_strided_slice %get3A_7 {offsets = [1], sizes = [1], strides = [1]} : vector<16xi32> to vector<1xi32>
    %squeeze3A_56 = vector.extract %slice3A_55[0] : i32 from vector<1xi32>
    %shift_right_arithmetic3A_57 = arith.constant 7 : i32
    %shift_right_arithmetic3A_58 = arith.shrsi %squeeze3A_56, %shift_right_arithmetic3A_57 : i32
    %mul3A_59 = arith.constant 128 : i32
    %mul3A_60 = arith.muli %shift_right_arithmetic3A_58, %mul3A_59 : i32
    %multiple_of3A_61 = tpu.assume_multiple %mul3A_60, 128 : i32
    %slice3A_62 = vector.extract_strided_slice %get3A_9 {offsets = [1], sizes = [1], strides = [1]} : vector<16xi32> to vector<1xi32>
    %squeeze3A_63 = vector.extract %slice3A_62[0] : i32 from vector<1xi32>
    %shift_right_arithmetic3A_64 = arith.constant 7 : i32
    %shift_right_arithmetic3A_65 = arith.shrsi %squeeze3A_63, %shift_right_arithmetic3A_64 : i32
    %mul3A_66 = arith.constant 128 : i32
    %mul3A_67 = arith.muli %shift_right_arithmetic3A_65, %mul3A_66 : i32
    %multiple_of3A_68 = tpu.assume_multiple %mul3A_67, 128 : i32
    %dma_start3A_69 = arith.constant 0 : i32
    %dma_start3A_70 = arith.constant 1 : i32
    %dma_start3A_71 = arith.constant 0 : i32
    %dma_start3A_72 = arith.constant 0 : i32
    %dma_start3A_73 = arith.constant 0 : i32
    %dma_start3A_74 = tpu.memref_slice %arg10[%dma_start3A_69, %dma_start3A_70, %dma_start3A_72, %dma_start3A_73] : memref<2x2x32x128xf32, #tpu.memory_space<vmem>> -> memref<1x1x32x128xf32, #tpu.memory_space<vmem>>
    %dma_start3A_75 = tpu.memref_squeeze %dma_start3A_74 : memref<1x1x32x128xf32, #tpu.memory_space<vmem>> -> memref<32x128xf32, #tpu.memory_space<vmem>>
    %dma_start3A_76 = arith.constant 0 : i32
    %dma_start3A_77 = tpu.memref_slice %arg4[%dma_start3A_76, %multiple_of3A_61] : memref<32x1000000xf32, #tpu.memory_space<hbm>> -> memref<32x128xf32, #tpu.memory_space<hbm>>
    %dma_start3A_78 = tpu.memref_slice %arg15[%dma_start3A_71] : memref<2x!tpu.dma_semaphore, #tpu.memory_space<semaphore_mem>> -> memref<1x!tpu.dma_semaphore, #tpu.memory_space<semaphore_mem>>
    %dma_start3A_79 = tpu.memref_squeeze %dma_start3A_78 : memref<1x!tpu.dma_semaphore, #tpu.memory_space<semaphore_mem>> -> memref<!tpu.dma_semaphore, #tpu.memory_space<semaphore_mem>>
    %dma_start3A_80 = arith.constant 0 : i32
    %dma_start3A_81 = arith.constant 0 : i32
    %dma_start3A_82 = tpu.memref_slice %arg10[%dma_start3A_69, %dma_start3A_70, %dma_start3A_80, %dma_start3A_81] : memref<2x2x32x128xf32, #tpu.memory_space<vmem>> -> memref<1x1x32x128xf32, #tpu.memory_space<vmem>>
    %dma_start3A_83 = tpu.memref_squeeze %dma_start3A_82 : memref<1x1x32x128xf32, #tpu.memory_space<vmem>> -> memref<32x128xf32, #tpu.memory_space<vmem>>
    %dma_start3A_84 = arith.constant 0 : i32
    %dma_start3A_85 = tpu.memref_slice %arg4[%dma_start3A_84, %multiple_of3A_61] : memref<32x1000000xf32, #tpu.memory_space<hbm>> -> memref<32x128xf32, #tpu.memory_space<hbm>>
    tpu.enqueue_dma source(%dma_start3A_85 : memref<32x128xf32, #tpu.memory_space<hbm>>) target(%dma_start3A_83 : memref<32x128xf32, #tpu.memory_space<vmem>>) target_semaphore(%dma_start3A_79 : memref<!tpu.dma_semaphore, #tpu.memory_space<semaphore_mem>>)
    %dma_start3A_86 = arith.constant 0 : i32
    %dma_start3A_87 = arith.constant 1 : i32
    %dma_start3A_88 = arith.constant 0 : i32
    %dma_start3A_89 = arith.constant 0 : i32
    %dma_start3A_90 = arith.constant 0 : i32
    %dma_start3A_91 = tpu.memref_slice %arg11[%dma_start3A_86, %dma_start3A_87, %dma_start3A_89, %dma_start3A_90] : memref<2x2x32x128xf32, #tpu.memory_space<vmem>> -> memref<1x1x32x128xf32, #tpu.memory_space<vmem>>
    %dma_start3A_92 = tpu.memref_squeeze %dma_start3A_91 : memref<1x1x32x128xf32, #tpu.memory_space<vmem>> -> memref<32x128xf32, #tpu.memory_space<vmem>>
    %dma_start3A_93 = arith.constant 0 : i32
    %dma_start3A_94 = tpu.memref_slice %arg5[%dma_start3A_93, %multiple_of3A_68] : memref<32x1000000xf32, #tpu.memory_space<hbm>> -> memref<32x128xf32, #tpu.memory_space<hbm>>
    %dma_start3A_95 = tpu.memref_slice %arg15[%dma_start3A_88] : memref<2x!tpu.dma_semaphore, #tpu.memory_space<semaphore_mem>> -> memref<1x!tpu.dma_semaphore, #tpu.memory_space<semaphore_mem>>
    %dma_start3A_96 = tpu.memref_squeeze %dma_start3A_95 : memref<1x!tpu.dma_semaphore, #tpu.memory_space<semaphore_mem>> -> memref<!tpu.dma_semaphore, #tpu.memory_space<semaphore_mem>>
    %dma_start3A_97 = arith.constant 0 : i32
    %dma_start3A_98 = arith.constant 0 : i32
    %dma_start3A_99 = tpu.memref_slice %arg11[%dma_start3A_86, %dma_start3A_87, %dma_start3A_97, %dma_start3A_98] : memref<2x2x32x128xf32, #tpu.memory_space<vmem>> -> memref<1x1x32x128xf32, #tpu.memory_space<vmem>>
    %dma_start3A_100 = tpu.memref_squeeze %dma_start3A_99 : memref<1x1x32x128xf32, #tpu.memory_space<vmem>> -> memref<32x128xf32, #tpu.memory_space<vmem>>
    %dma_start3A_101 = arith.constant 0 : i32
    %dma_start3A_102 = tpu.memref_slice %arg5[%dma_start3A_101, %multiple_of3A_68] : memref<32x1000000xf32, #tpu.memory_space<hbm>> -> memref<32x128xf32, #tpu.memory_space<hbm>>
    tpu.enqueue_dma source(%dma_start3A_102 : memref<32x128xf32, #tpu.memory_space<hbm>>) target(%dma_start3A_100 : memref<32x128xf32, #tpu.memory_space<vmem>>) target_semaphore(%dma_start3A_96 : memref<!tpu.dma_semaphore, #tpu.memory_space<semaphore_mem>>)
    %get3A_103 = arith.constant 2 : index
    %get3A_104 = tpu.vector_load %arg8[%get3A_103] {strides = array<i32>} : memref<528xi32, #tpu.memory_space<vmem>>, vector<16xi32>,
    %get3A_105 = arith.constant 2 : index
    %get3A_106 = tpu.vector_load %arg9[%get3A_105] {strides = array<i32>} : memref<528xi32, #tpu.memory_space<vmem>>, vector<16xi32>,
    %slice3A_107 = vector.extract_strided_slice %get3A_104 {offsets = [0], sizes = [1], strides = [1]} : vector<16xi32> to vector<1xi32>
    %squeeze3A_108 = vector.extract %slice3A_107[0] : i32 from vector<1xi32>
    %shift_right_arithmetic3A_109 = arith.constant 7 : i32
    %shift_right_arithmetic3A_110 = arith.shrsi %squeeze3A_108, %shift_right_arithmetic3A_109 : i32
    %mul3A_111 = arith.constant 128 : i32
    %mul3A_112 = arith.muli %shift_right_arithmetic3A_110, %mul3A_111 : i32
    %multiple_of3A_113 = tpu.assume_multiple %mul3A_112, 128 : i32
    %slice3A_114 = vector.extract_strided_slice %get3A_106 {offsets = [0], sizes = [1], strides = [1]} : vector<16xi32> to vector<1xi32>
    %squeeze3A_115 = vector.extract %slice3A_114[0] : i32 from vector<1xi32>
    %shift_right_arithmetic3A_116 = arith.constant 7 : i32
    %shift_right_arithmetic3A_117 = arith.shrsi %squeeze3A_115, %shift_right_arithmetic3A_116 : i32
    %mul3A_118 = arith.constant 128 : i32
    %mul3A_119 = arith.muli %shift_right_arithmetic3A_117, %mul3A_118 : i32
    %multiple_of3A_120 = tpu.assume_multiple %mul3A_119, 128 : i32
    %dma_start3A_121 = arith.constant 1 : i32
    %dma_start3A_122 = arith.constant 0 : i32
    %dma_start3A_123 = arith.constant 1 : i32
    %dma_start3A_124 = arith.constant 0 : i32
    %dma_start3A_125 = arith.constant 0 : i32
    %dma_start3A_126 = tpu.memref_slice %arg10[%dma_start3A_121, %dma_start3A_122, %dma_start3A_124, %dma_start3A_125] : memref<2x2x32x128xf32, #tpu.memory_space<vmem>> -> memref<1x1x32x128xf32, #tpu.memory_space<vmem>>
    %dma_start3A_127 = tpu.memref_squeeze %dma_start3A_126 : memref<1x1x32x128xf32, #tpu.memory_space<vmem>> -> memref<32x128xf32, #tpu.memory_space<vmem>>
    %dma_start3A_128 = arith.constant 0 : i32
    %dma_start3A_129 = tpu.memref_slice %arg4[%dma_start3A_128, %multiple_of3A_113] : memref<32x1000000xf32, #tpu.memory_space<hbm>> -> memref<32x128xf32, #tpu.memory_space<hbm>>
    %dma_start3A_130 = tpu.memref_slice %arg15[%dma_start3A_123] : memref<2x!tpu.dma_semaphore, #tpu.memory_space<semaphore_mem>> -> memref<1x!tpu.dma_semaphore, #tpu.memory_space<semaphore_mem>>
    %dma_start3A_131 = tpu.memref_squeeze %dma_start3A_130 : memref<1x!tpu.dma_semaphore, #tpu.memory_space<semaphore_mem>> -> memref<!tpu.dma_semaphore, #tpu.memory_space<semaphore_mem>>
    %dma_start3A_132 = arith.constant 0 : i32
    %dma_start3A_133 = arith.constant 0 : i32
    %dma_start3A_134 = tpu.memref_slice %arg10[%dma_start3A_121, %dma_start3A_122, %dma_start3A_132, %dma_start3A_133] : memref<2x2x32x128xf32, #tpu.memory_space<vmem>> -> memref<1x1x32x128xf32, #tpu.memory_space<vmem>>
    %dma_start3A_135 = tpu.memref_squeeze %dma_start3A_134 : memref<1x1x32x128xf32, #tpu.memory_space<vmem>> -> memref<32x128xf32, #tpu.memory_space<vmem>>
    %dma_start3A_136 = arith.constant 0 : i32
    %dma_start3A_137 = tpu.memref_slice %arg4[%dma_start3A_136, %multiple_of3A_113] : memref<32x1000000xf32, #tpu.memory_space<hbm>> -> memref<32x128xf32, #tpu.memory_space<hbm>>
    tpu.enqueue_dma source(%dma_start3A_137 : memref<32x128xf32, #tpu.memory_space<hbm>>) target(%dma_start3A_135 : memref<32x128xf32, #tpu.memory_space<vmem>>) target_semaphore(%dma_start3A_131 : memref<!tpu.dma_semaphore, #tpu.memory_space<semaphore_mem>>)
    %dma_start3A_138 = arith.constant 1 : i32
    %dma_start3A_139 = arith.constant 0 : i32
    %dma_start3A_140 = arith.constant 1 : i32
    %dma_start3A_141 = arith.constant 0 : i32
    %dma_start3A_142 = arith.constant 0 : i32
    %dma_start3A_143 = tpu.memref_slice %arg11[%dma_start3A_138, %dma_start3A_139, %dma_start3A_141, %dma_start3A_142] : memref<2x2x32x128xf32, #tpu.memory_space<vmem>> -> memref<1x1x32x128xf32, #tpu.memory_space<vmem>>
    %dma_start3A_144 = tpu.memref_squeeze %dma_start3A_143 : memref<1x1x32x128xf32, #tpu.memory_space<vmem>> -> memref<32x128xf32, #tpu.memory_space<vmem>>
    %dma_start3A_145 = arith.constant 0 : i32
    %dma_start3A_146 = tpu.memref_slice %arg5[%dma_start3A_145, %multiple_of3A_120] : memref<32x1000000xf32, #tpu.memory_space<hbm>> -> memref<32x128xf32, #tpu.memory_space<hbm>>
    %dma_start3A_147 = tpu.memref_slice %arg15[%dma_start3A_140] : memref<2x!tpu.dma_semaphore, #tpu.memory_space<semaphore_mem>> -> memref<1x!tpu.dma_semaphore, #tpu.memory_space<semaphore_mem>>
    %dma_start3A_148 = tpu.memref_squeeze %dma_start3A_147 : memref<1x!tpu.dma_semaphore, #tpu.memory_space<semaphore_mem>> -> memref<!tpu.dma_semaphore, #tpu.memory_space<semaphore_mem>>
    %dma_start3A_149 = arith.constant 0 : i32
    %dma_start3A_150 = arith.constant 0 : i32
    %dma_start3A_151 = tpu.memref_slice %arg11[%dma_start3A_138, %dma_start3A_139, %dma_start3A_149, %dma_start3A_150] : memref<2x2x32x128xf32, #tpu.memory_space<vmem>> -> memref<1x1x32x128xf32, #tpu.memory_space<vmem>>
    %dma_start3A_152 = tpu.memref_squeeze %dma_start3A_151 : memref<1x1x32x128xf32, #tpu.memory_space<vmem>> -> memref<32x128xf32, #tpu.memory_space<vmem>>
    %dma_start3A_153 = arith.constant 0 : i32
    %dma_start3A_154 = tpu.memref_slice %arg5[%dma_start3A_153, %multiple_of3A_120] : memref<32x1000000xf32, #tpu.memory_space<hbm>> -> memref<32x128xf32, #tpu.memory_space<hbm>>
    tpu.enqueue_dma source(%dma_start3A_154 : memref<32x128xf32, #tpu.memory_space<hbm>>) target(%dma_start3A_152 : memref<32x128xf32, #tpu.memory_space<vmem>>) target_semaphore(%dma_start3A_148 : memref<!tpu.dma_semaphore, #tpu.memory_space<semaphore_mem>>)
    %slice3A_155 = vector.extract_strided_slice %get3A_104 {offsets = [1], sizes = [1], strides = [1]} : vector<16xi32> to vector<1xi32>
    %squeeze3A_156 = vector.extract %slice3A_155[0] : i32 from vector<1xi32>
    %shift_right_arithmetic3A_157 = arith.constant 7 : i32
    %shift_right_arithmetic3A_158 = arith.shrsi %squeeze3A_156, %shift_right_arithmetic3A_157 : i32
    %mul3A_159 = arith.constant 128 : i32
    %mul3A_160 = arith.muli %shift_right_arithmetic3A_158, %mul3A_159 : i32
    %multiple_of3A_161 = tpu.assume_multiple %mul3A_160, 128 : i32
    %slice3A_162 = vector.extract_strided_slice %get3A_106 {offsets = [1], sizes = [1], strides = [1]} : vector<16xi32> to vector<1xi32>
    %squeeze3A_163 = vector.extract %slice3A_162[0] : i32 from vector<1xi32>
    %shift_right_arithmetic3A_164 = arith.constant 7 : i32
    %shift_right_arithmetic3A_165 = arith.shrsi %squeeze3A_163, %shift_right_arithmetic3A_164 : i32
    %mul3A_166 = arith.constant 128 : i32
    %mul3A_167 = arith.muli %shift_right_arithmetic3A_165, %mul3A_166 : i32
    %multiple_of3A_168 = tpu.assume_multiple %mul3A_167, 128 : i32
    %dma_start3A_169 = arith.constant 1 : i32
    %dma_start3A_170 = arith.constant 1 : i32
    %dma_start3A_171 = arith.constant 1 : i32
    %dma_start3A_172 = arith.constant 0 : i32
    %dma_start3A_173 = arith.constant 0 : i32
    %dma_start3A_174 = tpu.memref_slice %arg10[%dma_start3A_169, %dma_start3A_170, %dma_start3A_172, %dma_start3A_173] : memref<2x2x32x128xf32, #tpu.memory_space<vmem>> -> memref<1x1x32x128xf32, #tpu.memory_space<vmem>>
    %dma_start3A_175 = tpu.memref_squeeze %dma_start3A_174 : memref<1x1x32x128xf32, #tpu.memory_space<vmem>> -> memref<32x128xf32, #tpu.memory_space<vmem>>
    %dma_start3A_176 = arith.constant 0 : i32
    %dma_start3A_177 = tpu.memref_slice %arg4[%dma_start3A_176, %multiple_of3A_161] : memref<32x1000000xf32, #tpu.memory_space<hbm>> -> memref<32x128xf32, #tpu.memory_space<hbm>>
    %dma_start3A_178 = tpu.memref_slice %arg15[%dma_start3A_171] : memref<2x!tpu.dma_semaphore, #tpu.memory_space<semaphore_mem>> -> memref<1x!tpu.dma_semaphore, #tpu.memory_space<semaphore_mem>>
    %dma_start3A_179 = tpu.memref_squeeze %dma_start3A_178 : memref<1x!tpu.dma_semaphore, #tpu.memory_space<semaphore_mem>> -> memref<!tpu.dma_semaphore, #tpu.memory_space<semaphore_mem>>
    %dma_start3A_180 = arith.constant 0 : i32
    %dma_start3A_181 = arith.constant 0 : i32
    %dma_start3A_182 = tpu.memref_slice %arg10[%dma_start3A_169, %dma_start3A_170, %dma_start3A_180, %dma_start3A_181] : memref<2x2x32x128xf32, #tpu.memory_space<vmem>> -> memref<1x1x32x128xf32, #tpu.memory_space<vmem>>
    %dma_start3A_183 = tpu.memref_squeeze %dma_start3A_182 : memref<1x1x32x128xf32, #tpu.memory_space<vmem>> -> memref<32x128xf32, #tpu.memory_space<vmem>>
    %dma_start3A_184 = arith.constant 0 : i32
    %dma_start3A_185 = tpu.memref_slice %arg4[%dma_start3A_184, %multiple_of3A_161] : memref<32x1000000xf32, #tpu.memory_space<hbm>> -> memref<32x128xf32, #tpu.memory_space<hbm>>
    tpu.enqueue_dma source(%dma_start3A_185 : memref<32x128xf32, #tpu.memory_space<hbm>>) target(%dma_start3A_183 : memref<32x128xf32, #tpu.memory_space<vmem>>) target_semaphore(%dma_start3A_179 : memref<!tpu.dma_semaphore, #tpu.memory_space<semaphore_mem>>)
    %dma_start3A_186 = arith.constant 1 : i32
    %dma_start3A_187 = arith.constant 1 : i32
    %dma_start3A_188 = arith.constant 1 : i32
    %dma_start3A_189 = arith.constant 0 : i32
    %dma_start3A_190 = arith.constant 0 : i32
    %dma_start3A_191 = tpu.memref_slice %arg11[%dma_start3A_186, %dma_start3A_187, %dma_start3A_189, %dma_start3A_190] : memref<2x2x32x128xf32, #tpu.memory_space<vmem>> -> memref<1x1x32x128xf32, #tpu.memory_space<vmem>>
    %dma_start3A_192 = tpu.memref_squeeze %dma_start3A_191 : memref<1x1x32x128xf32, #tpu.memory_space<vmem>> -> memref<32x128xf32, #tpu.memory_space<vmem>>
    %dma_start3A_193 = arith.constant 0 : i32
    %dma_start3A_194 = tpu.memref_slice %arg5[%dma_start3A_193, %multiple_of3A_168] : memref<32x1000000xf32, #tpu.memory_space<hbm>> -> memref<32x128xf32, #tpu.memory_space<hbm>>
    %dma_start3A_195 = tpu.memref_slice %arg15[%dma_start3A_188] : memref<2x!tpu.dma_semaphore, #tpu.memory_space<semaphore_mem>> -> memref<1x!tpu.dma_semaphore, #tpu.memory_space<semaphore_mem>>
    %dma_start3A_196 = tpu.memref_squeeze %dma_start3A_195 : memref<1x!tpu.dma_semaphore, #tpu.memory_space<semaphore_mem>> -> memref<!tpu.dma_semaphore, #tpu.memory_space<semaphore_mem>>
    %dma_start3A_197 = arith.constant 0 : i32
    %dma_start3A_198 = arith.constant 0 : i32
    %dma_start3A_199 = tpu.memref_slice %arg11[%dma_start3A_186, %dma_start3A_187, %dma_start3A_197, %dma_start3A_198] : memref<2x2x32x128xf32, #tpu.memory_space<vmem>> -> memref<1x1x32x128xf32, #tpu.memory_space<vmem>>
    %dma_start3A_200 = tpu.memref_squeeze %dma_start3A_199 : memref<1x1x32x128xf32, #tpu.memory_space<vmem>> -> memref<32x128xf32, #tpu.memory_space<vmem>>
    %dma_start3A_201 = arith.constant 0 : i32
    %dma_start3A_202 = tpu.memref_slice %arg5[%dma_start3A_201, %multiple_of3A_168] : memref<32x1000000xf32, #tpu.memory_space<hbm>> -> memref<32x128xf32, #tpu.memory_space<hbm>>
    tpu.enqueue_dma source(%dma_start3A_202 : memref<32x128xf32, #tpu.memory_space<hbm>>) target(%dma_start3A_200 : memref<32x128xf32, #tpu.memory_space<vmem>>) target_semaphore(%dma_start3A_196 : memref<!tpu.dma_semaphore, #tpu.memory_space<semaphore_mem>>)
    %scan3A = arith.constant 0 : i32
    %scan3A_203 = arith.constant 0 : i32
    %scan3A_204 = arith.constant 128 : i32
    %scan3A_205 = arith.addi %scan3A_203, %scan3A_204 : i32
    %scan3A_206 = arith.constant 1 : i32
    %scan3A_207 = scf.for %scan3A_216 = %scan3A_203 to %scan3A_205 step %scan3A_206 iter_args(%scan3A_217 = %scan3A) -> (i32)  : i32 {
      %mul3A_218 = arith.constant 2 : i32
      %mul3A_219 = arith.muli %scan3A_216, %mul3A_218 : i32
      %add3A_220 = arith.constant 0 : i32
      %add3A_221 = arith.addi %mul3A_219, %add3A_220 : i32
      %dma_wait3A = arith.constant 0 : i32
      %dma_wait3A_222 = arith.constant 0 : i32
      %dma_wait3A_223 = arith.constant 0 : i32
      %dma_wait3A_224 = arith.constant 0 : i32
      %dma_wait3A_225 = arith.constant 0 : i32
      %dma_wait3A_226 = tpu.memref_slice %arg10[%dma_wait3A, %dma_wait3A_222, %dma_wait3A_224, %dma_wait3A_225] : memref<2x2x32x128xf32, #tpu.memory_space<vmem>> -> memref<1x1x32x128xf32, #tpu.memory_space<vmem>>
      %dma_wait3A_227 = tpu.memref_squeeze %dma_wait3A_226 : memref<1x1x32x128xf32, #tpu.memory_space<vmem>> -> memref<32x128xf32, #tpu.memory_space<vmem>>
      %dma_wait3A_228 = arith.constant 0 : i32
      %dma_wait3A_229 = arith.constant 0 : i32
      %dma_wait3A_230 = tpu.memref_slice %arg4[%dma_wait3A_228, %dma_wait3A_229] : memref<32x1000000xf32, #tpu.memory_space<hbm>> -> memref<32x128xf32, #tpu.memory_space<hbm>>
      %dma_wait3A_231 = tpu.memref_slice %arg15[%dma_wait3A_223] : memref<2x!tpu.dma_semaphore, #tpu.memory_space<semaphore_mem>> -> memref<1x!tpu.dma_semaphore, #tpu.memory_space<semaphore_mem>>
      %dma_wait3A_232 = tpu.memref_squeeze %dma_wait3A_231 : memref<1x!tpu.dma_semaphore, #tpu.memory_space<semaphore_mem>> -> memref<!tpu.dma_semaphore, #tpu.memory_space<semaphore_mem>>
      %dma_wait3A_233 = arith.constant 0 : i32
      %dma_wait3A_234 = arith.constant 0 : i32
      %dma_wait3A_235 = tpu.memref_slice %arg10[%dma_wait3A, %dma_wait3A_222, %dma_wait3A_233, %dma_wait3A_234] : memref<2x2x32x128xf32, #tpu.memory_space<vmem>> -> memref<1x1x32x128xf32, #tpu.memory_space<vmem>>
      %dma_wait3A_236 = tpu.memref_squeeze %dma_wait3A_235 : memref<1x1x32x128xf32, #tpu.memory_space<vmem>> -> memref<32x128xf32, #tpu.memory_space<vmem>>
      %dma_wait3A_237 = arith.constant 0 : i32
      %dma_wait3A_238 = arith.constant 0 : i32
      %dma_wait3A_239 = tpu.memref_slice %arg4[%dma_wait3A_237, %dma_wait3A_238] : memref<32x1000000xf32, #tpu.memory_space<hbm>> -> memref<32x128xf32, #tpu.memory_space<hbm>>
      tpu.wait_dma2 semaphore(%dma_wait3A_232 : memref<!tpu.dma_semaphore, #tpu.memory_space<semaphore_mem>>) src(%dma_wait3A_239 : memref<32x128xf32, #tpu.memory_space<hbm>>) dst(%dma_wait3A_236 : memref<32x128xf32, #tpu.memory_space<vmem>>)
      %dma_wait3A_240 = arith.constant 0 : i32
      %dma_wait3A_241 = arith.constant 0 : i32
      %dma_wait3A_242 = arith.constant 0 : i32
      %dma_wait3A_243 = arith.constant 0 : i32
      %dma_wait3A_244 = arith.constant 0 : i32
      %dma_wait3A_245 = tpu.memref_slice %arg11[%dma_wait3A_240, %dma_wait3A_241, %dma_wait3A_243, %dma_wait3A_244] : memref<2x2x32x128xf32, #tpu.memory_space<vmem>> -> memref<1x1x32x128xf32, #tpu.memory_space<vmem>>
      %dma_wait3A_246 = tpu.memref_squeeze %dma_wait3A_245 : memref<1x1x32x128xf32, #tpu.memory_space<vmem>> -> memref<32x128xf32, #tpu.memory_space<vmem>>
      %dma_wait3A_247 = arith.constant 0 : i32
      %dma_wait3A_248 = arith.constant 0 : i32
      %dma_wait3A_249 = tpu.memref_slice %arg5[%dma_wait3A_247, %dma_wait3A_248] : memref<32x1000000xf32, #tpu.memory_space<hbm>> -> memref<32x128xf32, #tpu.memory_space<hbm>>
      %dma_wait3A_250 = tpu.memref_slice %arg15[%dma_wait3A_242] : memref<2x!tpu.dma_semaphore, #tpu.memory_space<semaphore_mem>> -> memref<1x!tpu.dma_semaphore, #tpu.memory_space<semaphore_mem>>
      %dma_wait3A_251 = tpu.memref_squeeze %dma_wait3A_250 : memref<1x!tpu.dma_semaphore, #tpu.memory_space<semaphore_mem>> -> memref<!tpu.dma_semaphore, #tpu.memory_space<semaphore_mem>>
      %dma_wait3A_252 = arith.constant 0 : i32
      %dma_wait3A_253 = arith.constant 0 : i32
      %dma_wait3A_254 = tpu.memref_slice %arg11[%dma_wait3A_240, %dma_wait3A_241, %dma_wait3A_252, %dma_wait3A_253] : memref<2x2x32x128xf32, #tpu.memory_space<vmem>> -> memref<1x1x32x128xf32, #tpu.memory_space<vmem>>
      %dma_wait3A_255 = tpu.memref_squeeze %dma_wait3A_254 : memref<1x1x32x128xf32, #tpu.memory_space<vmem>> -> memref<32x128xf32, #tpu.memory_space<vmem>>
      %dma_wait3A_256 = arith.constant 0 : i32
      %dma_wait3A_257 = arith.constant 0 : i32
      %dma_wait3A_258 = tpu.memref_slice %arg5[%dma_wait3A_256, %dma_wait3A_257] : memref<32x1000000xf32, #tpu.memory_space<hbm>> -> memref<32x128xf32, #tpu.memory_space<hbm>>
      tpu.wait_dma2 semaphore(%dma_wait3A_251 : memref<!tpu.dma_semaphore, #tpu.memory_space<semaphore_mem>>) src(%dma_wait3A_258 : memref<32x128xf32, #tpu.memory_space<hbm>>) dst(%dma_wait3A_255 : memref<32x128xf32, #tpu.memory_space<vmem>>)
      %dma_wait3A_259 = arith.constant 0 : i32
      %dma_wait3A_260 = arith.constant 1 : i32
      %dma_wait3A_261 = arith.constant 0 : i32
      %dma_wait3A_262 = arith.constant 0 : i32
      %dma_wait3A_263 = arith.constant 0 : i32
      %dma_wait3A_264 = tpu.memref_slice %arg10[%dma_wait3A_259, %dma_wait3A_260, %dma_wait3A_262, %dma_wait3A_263] : memref<2x2x32x128xf32, #tpu.memory_space<vmem>> -> memref<1x1x32x128xf32, #tpu.memory_space<vmem>>
      %dma_wait3A_265 = tpu.memref_squeeze %dma_wait3A_264 : memref<1x1x32x128xf32, #tpu.memory_space<vmem>> -> memref<32x128xf32, #tpu.memory_space<vmem>>
      %dma_wait3A_266 = arith.constant 0 : i32
      %dma_wait3A_267 = arith.constant 0 : i32
      %dma_wait3A_268 = tpu.memref_slice %arg4[%dma_wait3A_266, %dma_wait3A_267] : memref<32x1000000xf32, #tpu.memory_space<hbm>> -> memref<32x128xf32, #tpu.memory_space<hbm>>
      %dma_wait3A_269 = tpu.memref_slice %arg15[%dma_wait3A_261] : memref<2x!tpu.dma_semaphore, #tpu.memory_space<semaphore_mem>> -> memref<1x!tpu.dma_semaphore, #tpu.memory_space<semaphore_mem>>
      %dma_wait3A_270 = tpu.memref_squeeze %dma_wait3A_269 : memref<1x!tpu.dma_semaphore, #tpu.memory_space<semaphore_mem>> -> memref<!tpu.dma_semaphore, #tpu.memory_space<semaphore_mem>>
      %dma_wait3A_271 = arith.constant 0 : i32
      %dma_wait3A_272 = arith.constant 0 : i32
      %dma_wait3A_273 = tpu.memref_slice %arg10[%dma_wait3A_259, %dma_wait3A_260, %dma_wait3A_271, %dma_wait3A_272] : memref<2x2x32x128xf32, #tpu.memory_space<vmem>> -> memref<1x1x32x128xf32, #tpu.memory_space<vmem>>
      %dma_wait3A_274 = tpu.memref_squeeze %dma_wait3A_273 : memref<1x1x32x128xf32, #tpu.memory_space<vmem>> -> memref<32x128xf32, #tpu.memory_space<vmem>>
      %dma_wait3A_275 = arith.constant 0 : i32
      %dma_wait3A_276 = arith.constant 0 : i32
      %dma_wait3A_277 = tpu.memref_slice %arg4[%dma_wait3A_275, %dma_wait3A_276] : memref<32x1000000xf32, #tpu.memory_space<hbm>> -> memref<32x128xf32, #tpu.memory_space<hbm>>
      tpu.wait_dma2 semaphore(%dma_wait3A_270 : memref<!tpu.dma_semaphore, #tpu.memory_space<semaphore_mem>>) src(%dma_wait3A_277 : memref<32x128xf32, #tpu.memory_space<hbm>>) dst(%dma_wait3A_274 : memref<32x128xf32, #tpu.memory_space<vmem>>)
      %dma_wait3A_278 = arith.constant 0 : i32
      %dma_wait3A_279 = arith.constant 1 : i32
      %dma_wait3A_280 = arith.constant 0 : i32
      %dma_wait3A_281 = arith.constant 0 : i32
      %dma_wait3A_282 = arith.constant 0 : i32
      %dma_wait3A_283 = tpu.memref_slice %arg11[%dma_wait3A_278, %dma_wait3A_279, %dma_wait3A_281, %dma_wait3A_282] : memref<2x2x32x128xf32, #tpu.memory_space<vmem>> -> memref<1x1x32x128xf32, #tpu.memory_space<vmem>>
      %dma_wait3A_284 = tpu.memref_squeeze %dma_wait3A_283 : memref<1x1x32x128xf32, #tpu.memory_space<vmem>> -> memref<32x128xf32, #tpu.memory_space<vmem>>
      %dma_wait3A_285 = arith.constant 0 : i32
      %dma_wait3A_286 = arith.constant 0 : i32
      %dma_wait3A_287 = tpu.memref_slice %arg5[%dma_wait3A_285, %dma_wait3A_286] : memref<32x1000000xf32, #tpu.memory_space<hbm>> -> memref<32x128xf32, #tpu.memory_space<hbm>>
      %dma_wait3A_288 = tpu.memref_slice %arg15[%dma_wait3A_280] : memref<2x!tpu.dma_semaphore, #tpu.memory_space<semaphore_mem>> -> memref<1x!tpu.dma_semaphore, #tpu.memory_space<semaphore_mem>>
      %dma_wait3A_289 = tpu.memref_squeeze %dma_wait3A_288 : memref<1x!tpu.dma_semaphore, #tpu.memory_space<semaphore_mem>> -> memref<!tpu.dma_semaphore, #tpu.memory_space<semaphore_mem>>
      %dma_wait3A_290 = arith.constant 0 : i32
      %dma_wait3A_291 = arith.constant 0 : i32
      %dma_wait3A_292 = tpu.memref_slice %arg11[%dma_wait3A_278, %dma_wait3A_279, %dma_wait3A_290, %dma_wait3A_291] : memref<2x2x32x128xf32, #tpu.memory_space<vmem>> -> memref<1x1x32x128xf32, #tpu.memory_space<vmem>>
      %dma_wait3A_293 = tpu.memref_squeeze %dma_wait3A_292 : memref<1x1x32x128xf32, #tpu.memory_space<vmem>> -> memref<32x128xf32, #tpu.memory_space<vmem>>
      %dma_wait3A_294 = arith.constant 0 : i32
      %dma_wait3A_295 = arith.constant 0 : i32
      %dma_wait3A_296 = tpu.memref_slice %arg5[%dma_wait3A_294, %dma_wait3A_295] : memref<32x1000000xf32, #tpu.memory_space<hbm>> -> memref<32x128xf32, #tpu.memory_space<hbm>>
      tpu.wait_dma2 semaphore(%dma_wait3A_289 : memref<!tpu.dma_semaphore, #tpu.memory_space<semaphore_mem>>) src(%dma_wait3A_296 : memref<32x128xf32, #tpu.memory_space<hbm>>) dst(%dma_wait3A_293 : memref<32x128xf32, #tpu.memory_space<vmem>>)
      %mul3A_297 = arith.constant 2 : i32
      %mul3A_298 = arith.muli %add3A_221, %mul3A_297 : i32
      %get3A_299 = arith.index_cast %mul3A_298 : i32 to index
      %get3A_300 = tpu.vector_load %arg8[%get3A_299] {strides = array<i32>} : memref<528xi32, #tpu.memory_space<vmem>>, vector<16xi32>,
      %mul3A_301 = arith.constant 2 : i32
      %mul3A_302 = arith.muli %add3A_221, %mul3A_301 : i32
      %get3A_303 = arith.index_cast %mul3A_302 : i32 to index
      %get3A_304 = tpu.vector_load %arg9[%get3A_303] {strides = array<i32>} : memref<528xi32, #tpu.memory_space<vmem>>, vector<16xi32>,
      %slice3A_305 = vector.extract_strided_slice %get3A_300 {offsets = [0], sizes = [1], strides = [1]} : vector<16xi32> to vector<1xi32>
      %squeeze3A_306 = vector.extract %slice3A_305[0] : i32 from vector<1xi32>
      %and3A = arith.constant 127 : i32
      %and3A_307 = arith.andi %squeeze3A_306, %and3A : i32
      %broadcast_in_dim3A = vector.broadcast %and3A_307 : i32 to vector<16xi32>
      %slice3A_308 = vector.extract_strided_slice %get3A_304 {offsets = [0], sizes = [1], strides = [1]} : vector<16xi32> to vector<1xi32>
      %squeeze3A_309 = vector.extract %slice3A_308[0] : i32 from vector<1xi32>
      %and3A_310 = arith.constant 127 : i32
      %and3A_311 = arith.andi %squeeze3A_309, %and3A_310 : i32
      %broadcast_in_dim3A_312 = vector.broadcast %and3A_311 : i32 to vector<16xi32>
      %gather3A = arith.constant 0 : i32
      %gather3A_313 = arith.constant 0 : i32
      %gather3A_314 = arith.constant 0 : i32
      %gather3A_315 = arith.constant 0 : i32
      %gather3A_316 = tpu.memref_slice %arg10[%gather3A, %gather3A_313, %gather3A_314, %gather3A_315] : memref<2x2x32x128xf32, #tpu.memory_space<vmem>> -> memref<1x1x32x128xf32, #tpu.memory_space<vmem>>
      %gather3A_317 = tpu.memref_squeeze %gather3A_316 : memref<1x1x32x128xf32, #tpu.memory_space<vmem>> -> memref<32x128xf32, #tpu.memory_space<vmem>>
      %gather3A_318 = tpu.vector_load_idx %gather3A_317[%iota3A, %broadcast_in_dim3A] : memref<32x128xf32, #tpu.memory_space<vmem>>[vector<16xi32>, vector<16xi32>], vector<16xf32>,
      %add3A_319 = arith.constant 16 : i32
      %add3A_320 = vector.broadcast %add3A_319 : i32 to vector<16xi32>
      %add3A_321 = arith.addi %iota3A, %add3A_320 : vector<16xi32>
      %gather3A_322 = arith.constant 0 : i32
      %gather3A_323 = arith.constant 0 : i32
      %gather3A_324 = arith.constant 0 : i32
      %gather3A_325 = arith.constant 0 : i32
      %gather3A_326 = tpu.memref_slice %arg10[%gather3A_322, %gather3A_323, %gather3A_324, %gather3A_325] : memref<2x2x32x128xf32, #tpu.memory_space<vmem>> -> memref<1x1x32x128xf32, #tpu.memory_space<vmem>>
      %gather3A_327 = tpu.memref_squeeze %gather3A_326 : memref<1x1x32x128xf32, #tpu.memory_space<vmem>> -> memref<32x128xf32, #tpu.memory_space<vmem>>
      %gather3A_328 = tpu.vector_load_idx %gather3A_327[%add3A_321, %broadcast_in_dim3A] : memref<32x128xf32, #tpu.memory_space<vmem>>[vector<16xi32>, vector<16xi32>], vector<16xf32>,
      %gather3A_329 = arith.constant 0 : i32
      %gather3A_330 = arith.constant 0 : i32
      %gather3A_331 = arith.constant 0 : i32
      %gather3A_332 = arith.constant 0 : i32
      %gather3A_333 = tpu.memref_slice %arg11[%gather3A_329, %gather3A_330, %gather3A_331, %gather3A_332] : memref<2x2x32x128xf32, #tpu.memory_space<vmem>> -> memref<1x1x32x128xf32, #tpu.memory_space<vmem>>
      %gather3A_334 = tpu.memref_squeeze %gather3A_333 : memref<1x1x32x128xf32, #tpu.memory_space<vmem>> -> memref<32x128xf32, #tpu.memory_space<vmem>>
      %gather3A_335 = tpu.vector_load_idx %gather3A_334[%iota3A, %broadcast_in_dim3A_312] : memref<32x128xf32, #tpu.memory_space<vmem>>[vector<16xi32>, vector<16xi32>], vector<16xf32>,
      %add3A_336 = arith.constant 16 : i32
      %add3A_337 = vector.broadcast %add3A_336 : i32 to vector<16xi32>
      %add3A_338 = arith.addi %iota3A, %add3A_337 : vector<16xi32>
      %gather3A_339 = arith.constant 0 : i32
      %gather3A_340 = arith.constant 0 : i32
      %gather3A_341 = arith.constant 0 : i32
      %gather3A_342 = arith.constant 0 : i32
      %gather3A_343 = tpu.memref_slice %arg11[%gather3A_339, %gather3A_340, %gather3A_341, %gather3A_342] : memref<2x2x32x128xf32, #tpu.memory_space<vmem>> -> memref<1x1x32x128xf32, #tpu.memory_space<vmem>>
      %gather3A_344 = tpu.memref_squeeze %gather3A_343 : memref<1x1x32x128xf32, #tpu.memory_space<vmem>> -> memref<32x128xf32, #tpu.memory_space<vmem>>
      %gather3A_345 = tpu.vector_load_idx %gather3A_344[%add3A_338, %broadcast_in_dim3A_312] : memref<32x128xf32, #tpu.memory_space<vmem>>[vector<16xi32>, vector<16xi32>], vector<16xf32>,
      %mul3A_346 = arith.mulf %gather3A_318, %gather3A_335 : vector<16xf32>
      %mul3A_347 = arith.mulf %gather3A_328, %gather3A_345 : vector<16xf32>
      %add3A_348 = arith.addf %mul3A_346, %mul3A_347 : vector<16xf32>
      %mul3A_349 = arith.constant 2 : i32
      %mul3A_350 = arith.muli %add3A_221, %mul3A_349 : i32
      %add3A_351 = arith.constant 0 : i32
      %add3A_352 = arith.addi %mul3A_350, %add3A_351 : i32
      %swap3A = arith.index_cast %add3A_352 : i32 to index
      %swap3A_353 = arith.constant 0 : index
      %swap3A_354 = tpu.vector_load %arg12[%swap3A, %swap3A_353] {strides = array<i32>} : memref<512x16xf32, #tpu.memory_space<vmem>>, vector<16xf32>,
      tpu.vector_store %arg12[%swap3A, %swap3A_353], %add3A_348 {strides = array<i32>} : memref<512x16xf32, #tpu.memory_space<vmem>>, vector<16xf32>,
      %slice3A_355 = vector.extract_strided_slice %get3A_300 {offsets = [1], sizes = [1], strides = [1]} : vector<16xi32> to vector<1xi32>
      %squeeze3A_356 = vector.extract %slice3A_355[0] : i32 from vector<1xi32>
      %and3A_357 = arith.constant 127 : i32
      %and3A_358 = arith.andi %squeeze3A_356, %and3A_357 : i32
      %broadcast_in_dim3A_359 = vector.broadcast %and3A_358 : i32 to vector<16xi32>
      %slice3A_360 = vector.extract_strided_slice %get3A_304 {offsets = [1], sizes = [1], strides = [1]} : vector<16xi32> to vector<1xi32>
      %squeeze3A_361 = vector.extract %slice3A_360[0] : i32 from vector<1xi32>
      %and3A_362 = arith.constant 127 : i32
      %and3A_363 = arith.andi %squeeze3A_361, %and3A_362 : i32
      %broadcast_in_dim3A_364 = vector.broadcast %and3A_363 : i32 to vector<16xi32>
      %gather3A_365 = arith.constant 0 : i32
      %gather3A_366 = arith.constant 1 : i32
      %gather3A_367 = arith.constant 0 : i32
      %gather3A_368 = arith.constant 0 : i32
      %gather3A_369 = tpu.memref_slice %arg10[%gather3A_365, %gather3A_366, %gather3A_367, %gather3A_368] : memref<2x2x32x128xf32, #tpu.memory_space<vmem>> -> memref<1x1x32x128xf32, #tpu.memory_space<vmem>>
      %gather3A_370 = tpu.memref_squeeze %gather3A_369 : memref<1x1x32x128xf32, #tpu.memory_space<vmem>> -> memref<32x128xf32, #tpu.memory_space<vmem>>
      %gather3A_371 = tpu.vector_load_idx %gather3A_370[%iota3A, %broadcast_in_dim3A_359] : memref<32x128xf32, #tpu.memory_space<vmem>>[vector<16xi32>, vector<16xi32>], vector<16xf32>,
      %add3A_372 = arith.constant 16 : i32
      %add3A_373 = vector.broadcast %add3A_372 : i32 to vector<16xi32>
      %add3A_374 = arith.addi %iota3A, %add3A_373 : vector<16xi32>
      %gather3A_375 = arith.constant 0 : i32
      %gather3A_376 = arith.constant 1 : i32
      %gather3A_377 = arith.constant 0 : i32
      %gather3A_378 = arith.constant 0 : i32
      %gather3A_379 = tpu.memref_slice %arg10[%gather3A_375, %gather3A_376, %gather3A_377, %gather3A_378] : memref<2x2x32x128xf32, #tpu.memory_space<vmem>> -> memref<1x1x32x128xf32, #tpu.memory_space<vmem>>
      %gather3A_380 = tpu.memref_squeeze %gather3A_379 : memref<1x1x32x128xf32, #tpu.memory_space<vmem>> -> memref<32x128xf32, #tpu.memory_space<vmem>>
      %gather3A_381 = tpu.vector_load_idx %gather3A_380[%add3A_374, %broadcast_in_dim3A_359] : memref<32x128xf32, #tpu.memory_space<vmem>>[vector<16xi32>, vector<16xi32>], vector<16xf32>,
      %gather3A_382 = arith.constant 0 : i32
      %gather3A_383 = arith.constant 1 : i32
      %gather3A_384 = arith.constant 0 : i32
      %gather3A_385 = arith.constant 0 : i32
      %gather3A_386 = tpu.memref_slice %arg11[%gather3A_382, %gather3A_383, %gather3A_384, %gather3A_385] : memref<2x2x32x128xf32, #tpu.memory_space<vmem>> -> memref<1x1x32x128xf32, #tpu.memory_space<vmem>>
      %gather3A_387 = tpu.memref_squeeze %gather3A_386 : memref<1x1x32x128xf32, #tpu.memory_space<vmem>> -> memref<32x128xf32, #tpu.memory_space<vmem>>
      %gather3A_388 = tpu.vector_load_idx %gather3A_387[%iota3A, %broadcast_in_dim3A_364] : memref<32x128xf32, #tpu.memory_space<vmem>>[vector<16xi32>, vector<16xi32>], vector<16xf32>,
      %add3A_389 = arith.constant 16 : i32
      %add3A_390 = vector.broadcast %add3A_389 : i32 to vector<16xi32>
      %add3A_391 = arith.addi %iota3A, %add3A_390 : vector<16xi32>
      %gather3A_392 = arith.constant 0 : i32
      %gather3A_393 = arith.constant 1 : i32
      %gather3A_394 = arith.constant 0 : i32
      %gather3A_395 = arith.constant 0 : i32
      %gather3A_396 = tpu.memref_slice %arg11[%gather3A_392, %gather3A_393, %gather3A_394, %gather3A_395] : memref<2x2x32x128xf32, #tpu.memory_space<vmem>> -> memref<1x1x32x128xf32, #tpu.memory_space<vmem>>
      %gather3A_397 = tpu.memref_squeeze %gather3A_396 : memref<1x1x32x128xf32, #tpu.memory_space<vmem>> -> memref<32x128xf32, #tpu.memory_space<vmem>>
      %gather3A_398 = tpu.vector_load_idx %gather3A_397[%add3A_391, %broadcast_in_dim3A_364] : memref<32x128xf32, #tpu.memory_space<vmem>>[vector<16xi32>, vector<16xi32>], vector<16xf32>,
      %mul3A_399 = arith.mulf %gather3A_371, %gather3A_388 : vector<16xf32>
      %mul3A_400 = arith.mulf %gather3A_381, %gather3A_398 : vector<16xf32>
      %add3A_401 = arith.addf %mul3A_399, %mul3A_400 : vector<16xf32>
      %mul3A_402 = arith.constant 2 : i32
      %mul3A_403 = arith.muli %add3A_221, %mul3A_402 : i32
      %add3A_404 = arith.constant 1 : i32
      %add3A_405 = arith.addi %mul3A_403, %add3A_404 : i32
      %swap3A_406 = arith.index_cast %add3A_405 : i32 to index
      %swap3A_407 = arith.constant 0 : index
      %swap3A_408 = tpu.vector_load %arg12[%swap3A_406, %swap3A_407] {strides = array<i32>} : memref<512x16xf32, #tpu.memory_space<vmem>>, vector<16xf32>,
      tpu.vector_store %arg12[%swap3A_406, %swap3A_407], %add3A_401 {strides = array<i32>} : memref<512x16xf32, #tpu.memory_space<vmem>>, vector<16xf32>,
      %add3A_409 = arith.constant 2 : i32
      %add3A_410 = arith.addi %add3A_221, %add3A_409 : i32
      %lt3A = arith.constant 256 : i32
      %lt3A_411 = arith.cmpi slt, %add3A_410, %lt3A : i32
      %convert_element_type3A = arith.extui %lt3A_411 : i1 to i32
      %cond3A = arith.constant 0 : i32
      %cond3A_412 = arith.cmpi ne, %convert_element_type3A, %cond3A : i32
      scf.if %cond3A_412 {
        %add3A_617 = arith.constant 2 : i32
        %add3A_618 = arith.addi %add3A_221, %add3A_617 : i32
        %mul3A_619 = arith.constant 2 : i32
        %mul3A_620 = arith.muli %add3A_618, %mul3A_619 : i32
        %get3A_621 = arith.index_cast %mul3A_620 : i32 to index
        %get3A_622 = tpu.vector_load %arg8[%get3A_621] {strides = array<i32>} : memref<528xi32, #tpu.memory_space<vmem>>, vector<16xi32>,
        %mul3A_623 = arith.constant 2 : i32
        %mul3A_624 = arith.muli %add3A_618, %mul3A_623 : i32
        %get3A_625 = arith.index_cast %mul3A_624 : i32 to index
        %get3A_626 = tpu.vector_load %arg9[%get3A_625] {strides = array<i32>} : memref<528xi32, #tpu.memory_space<vmem>>, vector<16xi32>,
        %slice3A_627 = vector.extract_strided_slice %get3A_622 {offsets = [0], sizes = [1], strides = [1]} : vector<16xi32> to vector<1xi32>
        %squeeze3A_628 = vector.extract %slice3A_627[0] : i32 from vector<1xi32>
        %shift_right_arithmetic3A_629 = arith.constant 7 : i32
        %shift_right_arithmetic3A_630 = arith.shrsi %squeeze3A_628, %shift_right_arithmetic3A_629 : i32
        %mul3A_631 = arith.constant 128 : i32
        %mul3A_632 = arith.muli %shift_right_arithmetic3A_630, %mul3A_631 : i32
        %multiple_of3A_633 = tpu.assume_multiple %mul3A_632, 128 : i32
        %slice3A_634 = vector.extract_strided_slice %get3A_626 {offsets = [0], sizes = [1], strides = [1]} : vector<16xi32> to vector<1xi32>
        %squeeze3A_635 = vector.extract %slice3A_634[0] : i32 from vector<1xi32>
        %shift_right_arithmetic3A_636 = arith.constant 7 : i32
        %shift_right_arithmetic3A_637 = arith.shrsi %squeeze3A_635, %shift_right_arithmetic3A_636 : i32
        %mul3A_638 = arith.constant 128 : i32
        %mul3A_639 = arith.muli %shift_right_arithmetic3A_637, %mul3A_638 : i32
        %multiple_of3A_640 = tpu.assume_multiple %mul3A_639, 128 : i32
        %dma_start3A_641 = arith.constant 0 : i32
        %dma_start3A_642 = arith.constant 0 : i32
        %dma_start3A_643 = arith.constant 0 : i32
        %dma_start3A_644 = arith.constant 0 : i32
        %dma_start3A_645 = arith.constant 0 : i32
        %dma_start3A_646 = tpu.memref_slice %arg10[%dma_start3A_641, %dma_start3A_642, %dma_start3A_644, %dma_start3A_645] : memref<2x2x32x128xf32, #tpu.memory_space<vmem>> -> memref<1x1x32x128xf32, #tpu.memory_space<vmem>>
        %dma_start3A_647 = tpu.memref_squeeze %dma_start3A_646 : memref<1x1x32x128xf32, #tpu.memory_space<vmem>> -> memref<32x128xf32, #tpu.memory_space<vmem>>
        %dma_start3A_648 = arith.constant 0 : i32
        %dma_start3A_649 = tpu.memref_slice %arg4[%dma_start3A_648, %multiple_of3A_633] : memref<32x1000000xf32, #tpu.memory_space<hbm>> -> memref<32x128xf32, #tpu.memory_space<hbm>>
        %dma_start3A_650 = tpu.memref_slice %arg15[%dma_start3A_643] : memref<2x!tpu.dma_semaphore, #tpu.memory_space<semaphore_mem>> -> memref<1x!tpu.dma_semaphore, #tpu.memory_space<semaphore_mem>>
        %dma_start3A_651 = tpu.memref_squeeze %dma_start3A_650 : memref<1x!tpu.dma_semaphore, #tpu.memory_space<semaphore_mem>> -> memref<!tpu.dma_semaphore, #tpu.memory_space<semaphore_mem>>
        %dma_start3A_652 = arith.constant 0 : i32
        %dma_start3A_653 = arith.constant 0 : i32
        %dma_start3A_654 = tpu.memref_slice %arg10[%dma_start3A_641, %dma_start3A_642, %dma_start3A_652, %dma_start3A_653] : memref<2x2x32x128xf32, #tpu.memory_space<vmem>> -> memref<1x1x32x128xf32, #tpu.memory_space<vmem>>
        %dma_start3A_655 = tpu.memref_squeeze %dma_start3A_654 : memref<1x1x32x128xf32, #tpu.memory_space<vmem>> -> memref<32x128xf32, #tpu.memory_space<vmem>>
        %dma_start3A_656 = arith.constant 0 : i32
        %dma_start3A_657 = tpu.memref_slice %arg4[%dma_start3A_656, %multiple_of3A_633] : memref<32x1000000xf32, #tpu.memory_space<hbm>> -> memref<32x128xf32, #tpu.memory_space<hbm>>
        tpu.enqueue_dma source(%dma_start3A_657 : memref<32x128xf32, #tpu.memory_space<hbm>>) target(%dma_start3A_655 : memref<32x128xf32, #tpu.memory_space<vmem>>) target_semaphore(%dma_start3A_651 : memref<!tpu.dma_semaphore, #tpu.memory_space<semaphore_mem>>)
        %dma_start3A_658 = arith.constant 0 : i32
        %dma_start3A_659 = arith.constant 0 : i32
        %dma_start3A_660 = arith.constant 0 : i32
        %dma_start3A_661 = arith.constant 0 : i32
        %dma_start3A_662 = arith.constant 0 : i32
        %dma_start3A_663 = tpu.memref_slice %arg11[%dma_start3A_658, %dma_start3A_659, %dma_start3A_661, %dma_start3A_662] : memref<2x2x32x128xf32, #tpu.memory_space<vmem>> -> memref<1x1x32x128xf32, #tpu.memory_space<vmem>>
        %dma_start3A_664 = tpu.memref_squeeze %dma_start3A_663 : memref<1x1x32x128xf32, #tpu.memory_space<vmem>> -> memref<32x128xf32, #tpu.memory_space<vmem>>
        %dma_start3A_665 = arith.constant 0 : i32
        %dma_start3A_666 = tpu.memref_slice %arg5[%dma_start3A_665, %multiple_of3A_640] : memref<32x1000000xf32, #tpu.memory_space<hbm>> -> memref<32x128xf32, #tpu.memory_space<hbm>>
        %dma_start3A_667 = tpu.memref_slice %arg15[%dma_start3A_660] : memref<2x!tpu.dma_semaphore, #tpu.memory_space<semaphore_mem>> -> memref<1x!tpu.dma_semaphore, #tpu.memory_space<semaphore_mem>>
        %dma_start3A_668 = tpu.memref_squeeze %dma_start3A_667 : memref<1x!tpu.dma_semaphore, #tpu.memory_space<semaphore_mem>> -> memref<!tpu.dma_semaphore, #tpu.memory_space<semaphore_mem>>
        %dma_start3A_669 = arith.constant 0 : i32
        %dma_start3A_670 = arith.constant 0 : i32
        %dma_start3A_671 = tpu.memref_slice %arg11[%dma_start3A_658, %dma_start3A_659, %dma_start3A_669, %dma_start3A_670] : memref<2x2x32x128xf32, #tpu.memory_space<vmem>> -> memref<1x1x32x128xf32, #tpu.memory_space<vmem>>
        %dma_start3A_672 = tpu.memref_squeeze %dma_start3A_671 : memref<1x1x32x128xf32, #tpu.memory_space<vmem>> -> memref<32x128xf32, #tpu.memory_space<vmem>>
        %dma_start3A_673 = arith.constant 0 : i32
        %dma_start3A_674 = tpu.memref_slice %arg5[%dma_start3A_673, %multiple_of3A_640] : memref<32x1000000xf32, #tpu.memory_space<hbm>> -> memref<32x128xf32, #tpu.memory_space<hbm>>
        tpu.enqueue_dma source(%dma_start3A_674 : memref<32x128xf32, #tpu.memory_space<hbm>>) target(%dma_start3A_672 : memref<32x128xf32, #tpu.memory_space<vmem>>) target_semaphore(%dma_start3A_668 : memref<!tpu.dma_semaphore, #tpu.memory_space<semaphore_mem>>)
        %slice3A_675 = vector.extract_strided_slice %get3A_622 {offsets = [1], sizes = [1], strides = [1]} : vector<16xi32> to vector<1xi32>
        %squeeze3A_676 = vector.extract %slice3A_675[0] : i32 from vector<1xi32>
        %shift_right_arithmetic3A_677 = arith.constant 7 : i32
        %shift_right_arithmetic3A_678 = arith.shrsi %squeeze3A_676, %shift_right_arithmetic3A_677 : i32
        %mul3A_679 = arith.constant 128 : i32
        %mul3A_680 = arith.muli %shift_right_arithmetic3A_678, %mul3A_679 : i32
        %multiple_of3A_681 = tpu.assume_multiple %mul3A_680, 128 : i32
        %slice3A_682 = vector.extract_strided_slice %get3A_626 {offsets = [1], sizes = [1], strides = [1]} : vector<16xi32> to vector<1xi32>
        %squeeze3A_683 = vector.extract %slice3A_682[0] : i32 from vector<1xi32>
        %shift_right_arithmetic3A_684 = arith.constant 7 : i32
        %shift_right_arithmetic3A_685 = arith.shrsi %squeeze3A_683, %shift_right_arithmetic3A_684 : i32
        %mul3A_686 = arith.constant 128 : i32
        %mul3A_687 = arith.muli %shift_right_arithmetic3A_685, %mul3A_686 : i32
        %multiple_of3A_688 = tpu.assume_multiple %mul3A_687, 128 : i32
        %dma_start3A_689 = arith.constant 0 : i32
        %dma_start3A_690 = arith.constant 1 : i32
        %dma_start3A_691 = arith.constant 0 : i32
        %dma_start3A_692 = arith.constant 0 : i32
        %dma_start3A_693 = arith.constant 0 : i32
        %dma_start3A_694 = tpu.memref_slice %arg10[%dma_start3A_689, %dma_start3A_690, %dma_start3A_692, %dma_start3A_693] : memref<2x2x32x128xf32, #tpu.memory_space<vmem>> -> memref<1x1x32x128xf32, #tpu.memory_space<vmem>>
        %dma_start3A_695 = tpu.memref_squeeze %dma_start3A_694 : memref<1x1x32x128xf32, #tpu.memory_space<vmem>> -> memref<32x128xf32, #tpu.memory_space<vmem>>
        %dma_start3A_696 = arith.constant 0 : i32
        %dma_start3A_697 = tpu.memref_slice %arg4[%dma_start3A_696, %multiple_of3A_681] : memref<32x1000000xf32, #tpu.memory_space<hbm>> -> memref<32x128xf32, #tpu.memory_space<hbm>>
        %dma_start3A_698 = tpu.memref_slice %arg15[%dma_start3A_691] : memref<2x!tpu.dma_semaphore, #tpu.memory_space<semaphore_mem>> -> memref<1x!tpu.dma_semaphore, #tpu.memory_space<semaphore_mem>>
        %dma_start3A_699 = tpu.memref_squeeze %dma_start3A_698 : memref<1x!tpu.dma_semaphore, #tpu.memory_space<semaphore_mem>> -> memref<!tpu.dma_semaphore, #tpu.memory_space<semaphore_mem>>
        %dma_start3A_700 = arith.constant 0 : i32
        %dma_start3A_701 = arith.constant 0 : i32
        %dma_start3A_702 = tpu.memref_slice %arg10[%dma_start3A_689, %dma_start3A_690, %dma_start3A_700, %dma_start3A_701] : memref<2x2x32x128xf32, #tpu.memory_space<vmem>> -> memref<1x1x32x128xf32, #tpu.memory_space<vmem>>
        %dma_start3A_703 = tpu.memref_squeeze %dma_start3A_702 : memref<1x1x32x128xf32, #tpu.memory_space<vmem>> -> memref<32x128xf32, #tpu.memory_space<vmem>>
        %dma_start3A_704 = arith.constant 0 : i32
        %dma_start3A_705 = tpu.memref_slice %arg4[%dma_start3A_704, %multiple_of3A_681] : memref<32x1000000xf32, #tpu.memory_space<hbm>> -> memref<32x128xf32, #tpu.memory_space<hbm>>
        tpu.enqueue_dma source(%dma_start3A_705 : memref<32x128xf32, #tpu.memory_space<hbm>>) target(%dma_start3A_703 : memref<32x128xf32, #tpu.memory_space<vmem>>) target_semaphore(%dma_start3A_699 : memref<!tpu.dma_semaphore, #tpu.memory_space<semaphore_mem>>)
        %dma_start3A_706 = arith.constant 0 : i32
        %dma_start3A_707 = arith.constant 1 : i32
        %dma_start3A_708 = arith.constant 0 : i32
        %dma_start3A_709 = arith.constant 0 : i32
        %dma_start3A_710 = arith.constant 0 : i32
        %dma_start3A_711 = tpu.memref_slice %arg11[%dma_start3A_706, %dma_start3A_707, %dma_start3A_709, %dma_start3A_710] : memref<2x2x32x128xf32, #tpu.memory_space<vmem>> -> memref<1x1x32x128xf32, #tpu.memory_space<vmem>>
        %dma_start3A_712 = tpu.memref_squeeze %dma_start3A_711 : memref<1x1x32x128xf32, #tpu.memory_space<vmem>> -> memref<32x128xf32, #tpu.memory_space<vmem>>
        %dma_start3A_713 = arith.constant 0 : i32
        %dma_start3A_714 = tpu.memref_slice %arg5[%dma_start3A_713, %multiple_of3A_688] : memref<32x1000000xf32, #tpu.memory_space<hbm>> -> memref<32x128xf32, #tpu.memory_space<hbm>>
        %dma_start3A_715 = tpu.memref_slice %arg15[%dma_start3A_708] : memref<2x!tpu.dma_semaphore, #tpu.memory_space<semaphore_mem>> -> memref<1x!tpu.dma_semaphore, #tpu.memory_space<semaphore_mem>>
        %dma_start3A_716 = tpu.memref_squeeze %dma_start3A_715 : memref<1x!tpu.dma_semaphore, #tpu.memory_space<semaphore_mem>> -> memref<!tpu.dma_semaphore, #tpu.memory_space<semaphore_mem>>
        %dma_start3A_717 = arith.constant 0 : i32
        %dma_start3A_718 = arith.constant 0 : i32
        %dma_start3A_719 = tpu.memref_slice %arg11[%dma_start3A_706, %dma_start3A_707, %dma_start3A_717, %dma_start3A_718] : memref<2x2x32x128xf32, #tpu.memory_space<vmem>> -> memref<1x1x32x128xf32, #tpu.memory_space<vmem>>
        %dma_start3A_720 = tpu.memref_squeeze %dma_start3A_719 : memref<1x1x32x128xf32, #tpu.memory_space<vmem>> -> memref<32x128xf32, #tpu.memory_space<vmem>>
        %dma_start3A_721 = arith.constant 0 : i32
        %dma_start3A_722 = tpu.memref_slice %arg5[%dma_start3A_721, %multiple_of3A_688] : memref<32x1000000xf32, #tpu.memory_space<hbm>> -> memref<32x128xf32, #tpu.memory_space<hbm>>
        tpu.enqueue_dma source(%dma_start3A_722 : memref<32x128xf32, #tpu.memory_space<hbm>>) target(%dma_start3A_720 : memref<32x128xf32, #tpu.memory_space<vmem>>) target_semaphore(%dma_start3A_716 : memref<!tpu.dma_semaphore, #tpu.memory_space<semaphore_mem>>)
      } else {
      }
      %mul3A_413 = arith.constant 2 : i32
      %mul3A_414 = arith.muli %scan3A_216, %mul3A_413 : i32
      %add3A_415 = arith.constant 1 : i32
      %add3A_416 = arith.addi %mul3A_414, %add3A_415 : i32
      %dma_wait3A_417 = arith.constant 1 : i32
      %dma_wait3A_418 = arith.constant 0 : i32
      %dma_wait3A_419 = arith.constant 1 : i32
      %dma_wait3A_420 = arith.constant 0 : i32
      %dma_wait3A_421 = arith.constant 0 : i32
      %dma_wait3A_422 = tpu.memref_slice %arg10[%dma_wait3A_417, %dma_wait3A_418, %dma_wait3A_420, %dma_wait3A_421] : memref<2x2x32x128xf32, #tpu.memory_space<vmem>> -> memref<1x1x32x128xf32, #tpu.memory_space<vmem>>
      %dma_wait3A_423 = tpu.memref_squeeze %dma_wait3A_422 : memref<1x1x32x128xf32, #tpu.memory_space<vmem>> -> memref<32x128xf32, #tpu.memory_space<vmem>>
      %dma_wait3A_424 = arith.constant 0 : i32
      %dma_wait3A_425 = arith.constant 0 : i32
      %dma_wait3A_426 = tpu.memref_slice %arg4[%dma_wait3A_424, %dma_wait3A_425] : memref<32x1000000xf32, #tpu.memory_space<hbm>> -> memref<32x128xf32, #tpu.memory_space<hbm>>
      %dma_wait3A_427 = tpu.memref_slice %arg15[%dma_wait3A_419] : memref<2x!tpu.dma_semaphore, #tpu.memory_space<semaphore_mem>> -> memref<1x!tpu.dma_semaphore, #tpu.memory_space<semaphore_mem>>
      %dma_wait3A_428 = tpu.memref_squeeze %dma_wait3A_427 : memref<1x!tpu.dma_semaphore, #tpu.memory_space<semaphore_mem>> -> memref<!tpu.dma_semaphore, #tpu.memory_space<semaphore_mem>>
      %dma_wait3A_429 = arith.constant 0 : i32
      %dma_wait3A_430 = arith.constant 0 : i32
      %dma_wait3A_431 = tpu.memref_slice %arg10[%dma_wait3A_417, %dma_wait3A_418, %dma_wait3A_429, %dma_wait3A_430] : memref<2x2x32x128xf32, #tpu.memory_space<vmem>> -> memref<1x1x32x128xf32, #tpu.memory_space<vmem>>
      %dma_wait3A_432 = tpu.memref_squeeze %dma_wait3A_431 : memref<1x1x32x128xf32, #tpu.memory_space<vmem>> -> memref<32x128xf32, #tpu.memory_space<vmem>>
      %dma_wait3A_433 = arith.constant 0 : i32
      %dma_wait3A_434 = arith.constant 0 : i32
      %dma_wait3A_435 = tpu.memref_slice %arg4[%dma_wait3A_433, %dma_wait3A_434] : memref<32x1000000xf32, #tpu.memory_space<hbm>> -> memref<32x128xf32, #tpu.memory_space<hbm>>
      tpu.wait_dma2 semaphore(%dma_wait3A_428 : memref<!tpu.dma_semaphore, #tpu.memory_space<semaphore_mem>>) src(%dma_wait3A_435 : memref<32x128xf32, #tpu.memory_space<hbm>>) dst(%dma_wait3A_432 : memref<32x128xf32, #tpu.memory_space<vmem>>)
      %dma_wait3A_436 = arith.constant 1 : i32
      %dma_wait3A_437 = arith.constant 0 : i32
      %dma_wait3A_438 = arith.constant 1 : i32
      %dma_wait3A_439 = arith.constant 0 : i32
      %dma_wait3A_440 = arith.constant 0 : i32
      %dma_wait3A_441 = tpu.memref_slice %arg11[%dma_wait3A_436, %dma_wait3A_437, %dma_wait3A_439, %dma_wait3A_440] : memref<2x2x32x128xf32, #tpu.memory_space<vmem>> -> memref<1x1x32x128xf32, #tpu.memory_space<vmem>>
      %dma_wait3A_442 = tpu.memref_squeeze %dma_wait3A_441 : memref<1x1x32x128xf32, #tpu.memory_space<vmem>> -> memref<32x128xf32, #tpu.memory_space<vmem>>
      %dma_wait3A_443 = arith.constant 0 : i32
      %dma_wait3A_444 = arith.constant 0 : i32
      %dma_wait3A_445 = tpu.memref_slice %arg5[%dma_wait3A_443, %dma_wait3A_444] : memref<32x1000000xf32, #tpu.memory_space<hbm>> -> memref<32x128xf32, #tpu.memory_space<hbm>>
      %dma_wait3A_446 = tpu.memref_slice %arg15[%dma_wait3A_438] : memref<2x!tpu.dma_semaphore, #tpu.memory_space<semaphore_mem>> -> memref<1x!tpu.dma_semaphore, #tpu.memory_space<semaphore_mem>>
      %dma_wait3A_447 = tpu.memref_squeeze %dma_wait3A_446 : memref<1x!tpu.dma_semaphore, #tpu.memory_space<semaphore_mem>> -> memref<!tpu.dma_semaphore, #tpu.memory_space<semaphore_mem>>
      %dma_wait3A_448 = arith.constant 0 : i32
      %dma_wait3A_449 = arith.constant 0 : i32
      %dma_wait3A_450 = tpu.memref_slice %arg11[%dma_wait3A_436, %dma_wait3A_437, %dma_wait3A_448, %dma_wait3A_449] : memref<2x2x32x128xf32, #tpu.memory_space<vmem>> -> memref<1x1x32x128xf32, #tpu.memory_space<vmem>>
      %dma_wait3A_451 = tpu.memref_squeeze %dma_wait3A_450 : memref<1x1x32x128xf32, #tpu.memory_space<vmem>> -> memref<32x128xf32, #tpu.memory_space<vmem>>
      %dma_wait3A_452 = arith.constant 0 : i32
      %dma_wait3A_453 = arith.constant 0 : i32
      %dma_wait3A_454 = tpu.memref_slice %arg5[%dma_wait3A_452, %dma_wait3A_453] : memref<32x1000000xf32, #tpu.memory_space<hbm>> -> memref<32x128xf32, #tpu.memory_space<hbm>>
      tpu.wait_dma2 semaphore(%dma_wait3A_447 : memref<!tpu.dma_semaphore, #tpu.memory_space<semaphore_mem>>) src(%dma_wait3A_454 : memref<32x128xf32, #tpu.memory_space<hbm>>) dst(%dma_wait3A_451 : memref<32x128xf32, #tpu.memory_space<vmem>>)
      %dma_wait3A_455 = arith.constant 1 : i32
      %dma_wait3A_456 = arith.constant 1 : i32
      %dma_wait3A_457 = arith.constant 1 : i32
      %dma_wait3A_458 = arith.constant 0 : i32
      %dma_wait3A_459 = arith.constant 0 : i32
      %dma_wait3A_460 = tpu.memref_slice %arg10[%dma_wait3A_455, %dma_wait3A_456, %dma_wait3A_458, %dma_wait3A_459] : memref<2x2x32x128xf32, #tpu.memory_space<vmem>> -> memref<1x1x32x128xf32, #tpu.memory_space<vmem>>
      %dma_wait3A_461 = tpu.memref_squeeze %dma_wait3A_460 : memref<1x1x32x128xf32, #tpu.memory_space<vmem>> -> memref<32x128xf32, #tpu.memory_space<vmem>>
      %dma_wait3A_462 = arith.constant 0 : i32
      %dma_wait3A_463 = arith.constant 0 : i32
      %dma_wait3A_464 = tpu.memref_slice %arg4[%dma_wait3A_462, %dma_wait3A_463] : memref<32x1000000xf32, #tpu.memory_space<hbm>> -> memref<32x128xf32, #tpu.memory_space<hbm>>
      %dma_wait3A_465 = tpu.memref_slice %arg15[%dma_wait3A_457] : memref<2x!tpu.dma_semaphore, #tpu.memory_space<semaphore_mem>> -> memref<1x!tpu.dma_semaphore, #tpu.memory_space<semaphore_mem>>
      %dma_wait3A_466 = tpu.memref_squeeze %dma_wait3A_465 : memref<1x!tpu.dma_semaphore, #tpu.memory_space<semaphore_mem>> -> memref<!tpu.dma_semaphore, #tpu.memory_space<semaphore_mem>>
      %dma_wait3A_467 = arith.constant 0 : i32
      %dma_wait3A_468 = arith.constant 0 : i32
      %dma_wait3A_469 = tpu.memref_slice %arg10[%dma_wait3A_455, %dma_wait3A_456, %dma_wait3A_467, %dma_wait3A_468] : memref<2x2x32x128xf32, #tpu.memory_space<vmem>> -> memref<1x1x32x128xf32, #tpu.memory_space<vmem>>
      %dma_wait3A_470 = tpu.memref_squeeze %dma_wait3A_469 : memref<1x1x32x128xf32, #tpu.memory_space<vmem>> -> memref<32x128xf32, #tpu.memory_space<vmem>>
      %dma_wait3A_471 = arith.constant 0 : i32
      %dma_wait3A_472 = arith.constant 0 : i32
      %dma_wait3A_473 = tpu.memref_slice %arg4[%dma_wait3A_471, %dma_wait3A_472] : memref<32x1000000xf32, #tpu.memory_space<hbm>> -> memref<32x128xf32, #tpu.memory_space<hbm>>
      tpu.wait_dma2 semaphore(%dma_wait3A_466 : memref<!tpu.dma_semaphore, #tpu.memory_space<semaphore_mem>>) src(%dma_wait3A_473 : memref<32x128xf32, #tpu.memory_space<hbm>>) dst(%dma_wait3A_470 : memref<32x128xf32, #tpu.memory_space<vmem>>)
      %dma_wait3A_474 = arith.constant 1 : i32
      %dma_wait3A_475 = arith.constant 1 : i32
      %dma_wait3A_476 = arith.constant 1 : i32
      %dma_wait3A_477 = arith.constant 0 : i32
      %dma_wait3A_478 = arith.constant 0 : i32
      %dma_wait3A_479 = tpu.memref_slice %arg11[%dma_wait3A_474, %dma_wait3A_475, %dma_wait3A_477, %dma_wait3A_478] : memref<2x2x32x128xf32, #tpu.memory_space<vmem>> -> memref<1x1x32x128xf32, #tpu.memory_space<vmem>>
      %dma_wait3A_480 = tpu.memref_squeeze %dma_wait3A_479 : memref<1x1x32x128xf32, #tpu.memory_space<vmem>> -> memref<32x128xf32, #tpu.memory_space<vmem>>
      %dma_wait3A_481 = arith.constant 0 : i32
      %dma_wait3A_482 = arith.constant 0 : i32
      %dma_wait3A_483 = tpu.memref_slice %arg5[%dma_wait3A_481, %dma_wait3A_482] : memref<32x1000000xf32, #tpu.memory_space<hbm>> -> memref<32x128xf32, #tpu.memory_space<hbm>>
      %dma_wait3A_484 = tpu.memref_slice %arg15[%dma_wait3A_476] : memref<2x!tpu.dma_semaphore, #tpu.memory_space<semaphore_mem>> -> memref<1x!tpu.dma_semaphore, #tpu.memory_space<semaphore_mem>>
      %dma_wait3A_485 = tpu.memref_squeeze %dma_wait3A_484 : memref<1x!tpu.dma_semaphore, #tpu.memory_space<semaphore_mem>> -> memref<!tpu.dma_semaphore, #tpu.memory_space<semaphore_mem>>
      %dma_wait3A_486 = arith.constant 0 : i32
      %dma_wait3A_487 = arith.constant 0 : i32
      %dma_wait3A_488 = tpu.memref_slice %arg11[%dma_wait3A_474, %dma_wait3A_475, %dma_wait3A_486, %dma_wait3A_487] : memref<2x2x32x128xf32, #tpu.memory_space<vmem>> -> memref<1x1x32x128xf32, #tpu.memory_space<vmem>>
      %dma_wait3A_489 = tpu.memref_squeeze %dma_wait3A_488 : memref<1x1x32x128xf32, #tpu.memory_space<vmem>> -> memref<32x128xf32, #tpu.memory_space<vmem>>
      %dma_wait3A_490 = arith.constant 0 : i32
      %dma_wait3A_491 = arith.constant 0 : i32
      %dma_wait3A_492 = tpu.memref_slice %arg5[%dma_wait3A_490, %dma_wait3A_491] : memref<32x1000000xf32, #tpu.memory_space<hbm>> -> memref<32x128xf32, #tpu.memory_space<hbm>>
      tpu.wait_dma2 semaphore(%dma_wait3A_485 : memref<!tpu.dma_semaphore, #tpu.memory_space<semaphore_mem>>) src(%dma_wait3A_492 : memref<32x128xf32, #tpu.memory_space<hbm>>) dst(%dma_wait3A_489 : memref<32x128xf32, #tpu.memory_space<vmem>>)
      %mul3A_493 = arith.constant 2 : i32
      %mul3A_494 = arith.muli %add3A_416, %mul3A_493 : i32
      %get3A_495 = arith.index_cast %mul3A_494 : i32 to index
      %get3A_496 = tpu.vector_load %arg8[%get3A_495] {strides = array<i32>} : memref<528xi32, #tpu.memory_space<vmem>>, vector<16xi32>,
      %mul3A_497 = arith.constant 2 : i32
      %mul3A_498 = arith.muli %add3A_416, %mul3A_497 : i32
      %get3A_499 = arith.index_cast %mul3A_498 : i32 to index
      %get3A_500 = tpu.vector_load %arg9[%get3A_499] {strides = array<i32>} : memref<528xi32, #tpu.memory_space<vmem>>, vector<16xi32>,
      %slice3A_501 = vector.extract_strided_slice %get3A_496 {offsets = [0], sizes = [1], strides = [1]} : vector<16xi32> to vector<1xi32>
      %squeeze3A_502 = vector.extract %slice3A_501[0] : i32 from vector<1xi32>
      %and3A_503 = arith.constant 127 : i32
      %and3A_504 = arith.andi %squeeze3A_502, %and3A_503 : i32
      %broadcast_in_dim3A_505 = vector.broadcast %and3A_504 : i32 to vector<16xi32>
      %slice3A_506 = vector.extract_strided_slice %get3A_500 {offsets = [0], sizes = [1], strides = [1]} : vector<16xi32> to vector<1xi32>
      %squeeze3A_507 = vector.extract %slice3A_506[0] : i32 from vector<1xi32>
      %and3A_508 = arith.constant 127 : i32
      %and3A_509 = arith.andi %squeeze3A_507, %and3A_508 : i32
      %broadcast_in_dim3A_510 = vector.broadcast %and3A_509 : i32 to vector<16xi32>
      %gather3A_511 = arith.constant 1 : i32
      %gather3A_512 = arith.constant 0 : i32
      %gather3A_513 = arith.constant 0 : i32
      %gather3A_514 = arith.constant 0 : i32
      %gather3A_515 = tpu.memref_slice %arg10[%gather3A_511, %gather3A_512, %gather3A_513, %gather3A_514] : memref<2x2x32x128xf32, #tpu.memory_space<vmem>> -> memref<1x1x32x128xf32, #tpu.memory_space<vmem>>
      %gather3A_516 = tpu.memref_squeeze %gather3A_515 : memref<1x1x32x128xf32, #tpu.memory_space<vmem>> -> memref<32x128xf32, #tpu.memory_space<vmem>>
      %gather3A_517 = tpu.vector_load_idx %gather3A_516[%iota3A, %broadcast_in_dim3A_505] : memref<32x128xf32, #tpu.memory_space<vmem>>[vector<16xi32>, vector<16xi32>], vector<16xf32>,
      %add3A_518 = arith.constant 16 : i32
      %add3A_519 = vector.broadcast %add3A_518 : i32 to vector<16xi32>
      %add3A_520 = arith.addi %iota3A, %add3A_519 : vector<16xi32>
      %gather3A_521 = arith.constant 1 : i32
      %gather3A_522 = arith.constant 0 : i32
      %gather3A_523 = arith.constant 0 : i32
      %gather3A_524 = arith.constant 0 : i32
      %gather3A_525 = tpu.memref_slice %arg10[%gather3A_521, %gather3A_522, %gather3A_523, %gather3A_524] : memref<2x2x32x128xf32, #tpu.memory_space<vmem>> -> memref<1x1x32x128xf32, #tpu.memory_space<vmem>>
      %gather3A_526 = tpu.memref_squeeze %gather3A_525 : memref<1x1x32x128xf32, #tpu.memory_space<vmem>> -> memref<32x128xf32, #tpu.memory_space<vmem>>
      %gather3A_527 = tpu.vector_load_idx %gather3A_526[%add3A_520, %broadcast_in_dim3A_505] : memref<32x128xf32, #tpu.memory_space<vmem>>[vector<16xi32>, vector<16xi32>], vector<16xf32>,
      %gather3A_528 = arith.constant 1 : i32
      %gather3A_529 = arith.constant 0 : i32
      %gather3A_530 = arith.constant 0 : i32
      %gather3A_531 = arith.constant 0 : i32
      %gather3A_532 = tpu.memref_slice %arg11[%gather3A_528, %gather3A_529, %gather3A_530, %gather3A_531] : memref<2x2x32x128xf32, #tpu.memory_space<vmem>> -> memref<1x1x32x128xf32, #tpu.memory_space<vmem>>
      %gather3A_533 = tpu.memref_squeeze %gather3A_532 : memref<1x1x32x128xf32, #tpu.memory_space<vmem>> -> memref<32x128xf32, #tpu.memory_space<vmem>>
      %gather3A_534 = tpu.vector_load_idx %gather3A_533[%iota3A, %broadcast_in_dim3A_510] : memref<32x128xf32, #tpu.memory_space<vmem>>[vector<16xi32>, vector<16xi32>], vector<16xf32>,
      %add3A_535 = arith.constant 16 : i32
      %add3A_536 = vector.broadcast %add3A_535 : i32 to vector<16xi32>
      %add3A_537 = arith.addi %iota3A, %add3A_536 : vector<16xi32>
      %gather3A_538 = arith.constant 1 : i32
      %gather3A_539 = arith.constant 0 : i32
      %gather3A_540 = arith.constant 0 : i32
      %gather3A_541 = arith.constant 0 : i32
      %gather3A_542 = tpu.memref_slice %arg11[%gather3A_538, %gather3A_539, %gather3A_540, %gather3A_541] : memref<2x2x32x128xf32, #tpu.memory_space<vmem>> -> memref<1x1x32x128xf32, #tpu.memory_space<vmem>>
      %gather3A_543 = tpu.memref_squeeze %gather3A_542 : memref<1x1x32x128xf32, #tpu.memory_space<vmem>> -> memref<32x128xf32, #tpu.memory_space<vmem>>
      %gather3A_544 = tpu.vector_load_idx %gather3A_543[%add3A_537, %broadcast_in_dim3A_510] : memref<32x128xf32, #tpu.memory_space<vmem>>[vector<16xi32>, vector<16xi32>], vector<16xf32>,
      %mul3A_545 = arith.mulf %gather3A_517, %gather3A_534 : vector<16xf32>
      %mul3A_546 = arith.mulf %gather3A_527, %gather3A_544 : vector<16xf32>
      %add3A_547 = arith.addf %mul3A_545, %mul3A_546 : vector<16xf32>
      %mul3A_548 = arith.constant 2 : i32
      %mul3A_549 = arith.muli %add3A_416, %mul3A_548 : i32
      %add3A_550 = arith.constant 0 : i32
      %add3A_551 = arith.addi %mul3A_549, %add3A_550 : i32
      %swap3A_552 = arith.index_cast %add3A_551 : i32 to index
      %swap3A_553 = arith.constant 0 : index
      %swap3A_554 = tpu.vector_load %arg12[%swap3A_552, %swap3A_553] {strides = array<i32>} : memref<512x16xf32, #tpu.memory_space<vmem>>, vector<16xf32>,
      tpu.vector_store %arg12[%swap3A_552, %swap3A_553], %add3A_547 {strides = array<i32>} : memref<512x16xf32, #tpu.memory_space<vmem>>, vector<16xf32>,
      %slice3A_555 = vector.extract_strided_slice %get3A_496 {offsets = [1], sizes = [1], strides = [1]} : vector<16xi32> to vector<1xi32>
      %squeeze3A_556 = vector.extract %slice3A_555[0] : i32 from vector<1xi32>
      %and3A_557 = arith.constant 127 : i32
      %and3A_558 = arith.andi %squeeze3A_556, %and3A_557 : i32
      %broadcast_in_dim3A_559 = vector.broadcast %and3A_558 : i32 to vector<16xi32>
      %slice3A_560 = vector.extract_strided_slice %get3A_500 {offsets = [1], sizes = [1], strides = [1]} : vector<16xi32> to vector<1xi32>
      %squeeze3A_561 = vector.extract %slice3A_560[0] : i32 from vector<1xi32>
      %and3A_562 = arith.constant 127 : i32
      %and3A_563 = arith.andi %squeeze3A_561, %and3A_562 : i32
      %broadcast_in_dim3A_564 = vector.broadcast %and3A_563 : i32 to vector<16xi32>
      %gather3A_565 = arith.constant 1 : i32
      %gather3A_566 = arith.constant 1 : i32
      %gather3A_567 = arith.constant 0 : i32
      %gather3A_568 = arith.constant 0 : i32
      %gather3A_569 = tpu.memref_slice %arg10[%gather3A_565, %gather3A_566, %gather3A_567, %gather3A_568] : memref<2x2x32x128xf32, #tpu.memory_space<vmem>> -> memref<1x1x32x128xf32, #tpu.memory_space<vmem>>
      %gather3A_570 = tpu.memref_squeeze %gather3A_569 : memref<1x1x32x128xf32, #tpu.memory_space<vmem>> -> memref<32x128xf32, #tpu.memory_space<vmem>>
      %gather3A_571 = tpu.vector_load_idx %gather3A_570[%iota3A, %broadcast_in_dim3A_559] : memref<32x128xf32, #tpu.memory_space<vmem>>[vector<16xi32>, vector<16xi32>], vector<16xf32>,
      %add3A_572 = arith.constant 16 : i32
      %add3A_573 = vector.broadcast %add3A_572 : i32 to vector<16xi32>
      %add3A_574 = arith.addi %iota3A, %add3A_573 : vector<16xi32>
      %gather3A_575 = arith.constant 1 : i32
      %gather3A_576 = arith.constant 1 : i32
      %gather3A_577 = arith.constant 0 : i32
      %gather3A_578 = arith.constant 0 : i32
      %gather3A_579 = tpu.memref_slice %arg10[%gather3A_575, %gather3A_576, %gather3A_577, %gather3A_578] : memref<2x2x32x128xf32, #tpu.memory_space<vmem>> -> memref<1x1x32x128xf32, #tpu.memory_space<vmem>>
      %gather3A_580 = tpu.memref_squeeze %gather3A_579 : memref<1x1x32x128xf32, #tpu.memory_space<vmem>> -> memref<32x128xf32, #tpu.memory_space<vmem>>
      %gather3A_581 = tpu.vector_load_idx %gather3A_580[%add3A_574, %broadcast_in_dim3A_559] : memref<32x128xf32, #tpu.memory_space<vmem>>[vector<16xi32>, vector<16xi32>], vector<16xf32>,
      %gather3A_582 = arith.constant 1 : i32
      %gather3A_583 = arith.constant 1 : i32
      %gather3A_584 = arith.constant 0 : i32
      %gather3A_585 = arith.constant 0 : i32
      %gather3A_586 = tpu.memref_slice %arg11[%gather3A_582, %gather3A_583, %gather3A_584, %gather3A_585] : memref<2x2x32x128xf32, #tpu.memory_space<vmem>> -> memref<1x1x32x128xf32, #tpu.memory_space<vmem>>
      %gather3A_587 = tpu.memref_squeeze %gather3A_586 : memref<1x1x32x128xf32, #tpu.memory_space<vmem>> -> memref<32x128xf32, #tpu.memory_space<vmem>>
      %gather3A_588 = tpu.vector_load_idx %gather3A_587[%iota3A, %broadcast_in_dim3A_564] : memref<32x128xf32, #tpu.memory_space<vmem>>[vector<16xi32>, vector<16xi32>], vector<16xf32>,
      %add3A_589 = arith.constant 16 : i32
      %add3A_590 = vector.broadcast %add3A_589 : i32 to vector<16xi32>
      %add3A_591 = arith.addi %iota3A, %add3A_590 : vector<16xi32>
      %gather3A_592 = arith.constant 1 : i32
      %gather3A_593 = arith.constant 1 : i32
      %gather3A_594 = arith.constant 0 : i32
      %gather3A_595 = arith.constant 0 : i32
      %gather3A_596 = tpu.memref_slice %arg11[%gather3A_592, %gather3A_593, %gather3A_594, %gather3A_595] : memref<2x2x32x128xf32, #tpu.memory_space<vmem>> -> memref<1x1x32x128xf32, #tpu.memory_space<vmem>>
      %gather3A_597 = tpu.memref_squeeze %gather3A_596 : memref<1x1x32x128xf32, #tpu.memory_space<vmem>> -> memref<32x128xf32, #tpu.memory_space<vmem>>
      %gather3A_598 = tpu.vector_load_idx %gather3A_597[%add3A_591, %broadcast_in_dim3A_564] : memref<32x128xf32, #tpu.memory_space<vmem>>[vector<16xi32>, vector<16xi32>], vector<16xf32>,
      %mul3A_599 = arith.mulf %gather3A_571, %gather3A_588 : vector<16xf32>
      %mul3A_600 = arith.mulf %gather3A_581, %gather3A_598 : vector<16xf32>
      %add3A_601 = arith.addf %mul3A_599, %mul3A_600 : vector<16xf32>
      %mul3A_602 = arith.constant 2 : i32
      %mul3A_603 = arith.muli %add3A_416, %mul3A_602 : i32
      %add3A_604 = arith.constant 1 : i32
      %add3A_605 = arith.addi %mul3A_603, %add3A_604 : i32
      %swap3A_606 = arith.index_cast %add3A_605 : i32 to index
      %swap3A_607 = arith.constant 0 : index
      %swap3A_608 = tpu.vector_load %arg12[%swap3A_606, %swap3A_607] {strides = array<i32>} : memref<512x16xf32, #tpu.memory_space<vmem>>, vector<16xf32>,
      tpu.vector_store %arg12[%swap3A_606, %swap3A_607], %add3A_601 {strides = array<i32>} : memref<512x16xf32, #tpu.memory_space<vmem>>, vector<16xf32>,
      %add3A_609 = arith.constant 2 : i32
      %add3A_610 = arith.addi %add3A_416, %add3A_609 : i32
      %lt3A_611 = arith.constant 256 : i32
      %lt3A_612 = arith.cmpi slt, %add3A_610, %lt3A_611 : i32
      %convert_element_type3A_613 = arith.extui %lt3A_612 : i1 to i32
      %cond3A_614 = arith.constant 0 : i32
      %cond3A_615 = arith.cmpi ne, %convert_element_type3A_613, %cond3A_614 : i32
      scf.if %cond3A_615 {
        %add3A_617 = arith.constant 2 : i32
        %add3A_618 = arith.addi %add3A_416, %add3A_617 : i32
        %mul3A_619 = arith.constant 2 : i32
        %mul3A_620 = arith.muli %add3A_618, %mul3A_619 : i32
        %get3A_621 = arith.index_cast %mul3A_620 : i32 to index
        %get3A_622 = tpu.vector_load %arg8[%get3A_621] {strides = array<i32>} : memref<528xi32, #tpu.memory_space<vmem>>, vector<16xi32>,
        %mul3A_623 = arith.constant 2 : i32
        %mul3A_624 = arith.muli %add3A_618, %mul3A_623 : i32
        %get3A_625 = arith.index_cast %mul3A_624 : i32 to index
        %get3A_626 = tpu.vector_load %arg9[%get3A_625] {strides = array<i32>} : memref<528xi32, #tpu.memory_space<vmem>>, vector<16xi32>,
        %slice3A_627 = vector.extract_strided_slice %get3A_622 {offsets = [0], sizes = [1], strides = [1]} : vector<16xi32> to vector<1xi32>
        %squeeze3A_628 = vector.extract %slice3A_627[0] : i32 from vector<1xi32>
        %shift_right_arithmetic3A_629 = arith.constant 7 : i32
        %shift_right_arithmetic3A_630 = arith.shrsi %squeeze3A_628, %shift_right_arithmetic3A_629 : i32
        %mul3A_631 = arith.constant 128 : i32
        %mul3A_632 = arith.muli %shift_right_arithmetic3A_630, %mul3A_631 : i32
        %multiple_of3A_633 = tpu.assume_multiple %mul3A_632, 128 : i32
        %slice3A_634 = vector.extract_strided_slice %get3A_626 {offsets = [0], sizes = [1], strides = [1]} : vector<16xi32> to vector<1xi32>
        %squeeze3A_635 = vector.extract %slice3A_634[0] : i32 from vector<1xi32>
        %shift_right_arithmetic3A_636 = arith.constant 7 : i32
        %shift_right_arithmetic3A_637 = arith.shrsi %squeeze3A_635, %shift_right_arithmetic3A_636 : i32
        %mul3A_638 = arith.constant 128 : i32
        %mul3A_639 = arith.muli %shift_right_arithmetic3A_637, %mul3A_638 : i32
        %multiple_of3A_640 = tpu.assume_multiple %mul3A_639, 128 : i32
        %dma_start3A_641 = arith.constant 1 : i32
        %dma_start3A_642 = arith.constant 0 : i32
        %dma_start3A_643 = arith.constant 1 : i32
        %dma_start3A_644 = arith.constant 0 : i32
        %dma_start3A_645 = arith.constant 0 : i32
        %dma_start3A_646 = tpu.memref_slice %arg10[%dma_start3A_641, %dma_start3A_642, %dma_start3A_644, %dma_start3A_645] : memref<2x2x32x128xf32, #tpu.memory_space<vmem>> -> memref<1x1x32x128xf32, #tpu.memory_space<vmem>>
        %dma_start3A_647 = tpu.memref_squeeze %dma_start3A_646 : memref<1x1x32x128xf32, #tpu.memory_space<vmem>> -> memref<32x128xf32, #tpu.memory_space<vmem>>
        %dma_start3A_648 = arith.constant 0 : i32
        %dma_start3A_649 = tpu.memref_slice %arg4[%dma_start3A_648, %multiple_of3A_633] : memref<32x1000000xf32, #tpu.memory_space<hbm>> -> memref<32x128xf32, #tpu.memory_space<hbm>>
        %dma_start3A_650 = tpu.memref_slice %arg15[%dma_start3A_643] : memref<2x!tpu.dma_semaphore, #tpu.memory_space<semaphore_mem>> -> memref<1x!tpu.dma_semaphore, #tpu.memory_space<semaphore_mem>>
        %dma_start3A_651 = tpu.memref_squeeze %dma_start3A_650 : memref<1x!tpu.dma_semaphore, #tpu.memory_space<semaphore_mem>> -> memref<!tpu.dma_semaphore, #tpu.memory_space<semaphore_mem>>
        %dma_start3A_652 = arith.constant 0 : i32
        %dma_start3A_653 = arith.constant 0 : i32
        %dma_start3A_654 = tpu.memref_slice %arg10[%dma_start3A_641, %dma_start3A_642, %dma_start3A_652, %dma_start3A_653] : memref<2x2x32x128xf32, #tpu.memory_space<vmem>> -> memref<1x1x32x128xf32, #tpu.memory_space<vmem>>
        %dma_start3A_655 = tpu.memref_squeeze %dma_start3A_654 : memref<1x1x32x128xf32, #tpu.memory_space<vmem>> -> memref<32x128xf32, #tpu.memory_space<vmem>>
        %dma_start3A_656 = arith.constant 0 : i32
        %dma_start3A_657 = tpu.memref_slice %arg4[%dma_start3A_656, %multiple_of3A_633] : memref<32x1000000xf32, #tpu.memory_space<hbm>> -> memref<32x128xf32, #tpu.memory_space<hbm>>
        tpu.enqueue_dma source(%dma_start3A_657 : memref<32x128xf32, #tpu.memory_space<hbm>>) target(%dma_start3A_655 : memref<32x128xf32, #tpu.memory_space<vmem>>) target_semaphore(%dma_start3A_651 : memref<!tpu.dma_semaphore, #tpu.memory_space<semaphore_mem>>)
        %dma_start3A_658 = arith.constant 1 : i32
        %dma_start3A_659 = arith.constant 0 : i32
        %dma_start3A_660 = arith.constant 1 : i32
        %dma_start3A_661 = arith.constant 0 : i32
        %dma_start3A_662 = arith.constant 0 : i32
        %dma_start3A_663 = tpu.memref_slice %arg11[%dma_start3A_658, %dma_start3A_659, %dma_start3A_661, %dma_start3A_662] : memref<2x2x32x128xf32, #tpu.memory_space<vmem>> -> memref<1x1x32x128xf32, #tpu.memory_space<vmem>>
        %dma_start3A_664 = tpu.memref_squeeze %dma_start3A_663 : memref<1x1x32x128xf32, #tpu.memory_space<vmem>> -> memref<32x128xf32, #tpu.memory_space<vmem>>
        %dma_start3A_665 = arith.constant 0 : i32
        %dma_start3A_666 = tpu.memref_slice %arg5[%dma_start3A_665, %multiple_of3A_640] : memref<32x1000000xf32, #tpu.memory_space<hbm>> -> memref<32x128xf32, #tpu.memory_space<hbm>>
        %dma_start3A_667 = tpu.memref_slice %arg15[%dma_start3A_660] : memref<2x!tpu.dma_semaphore, #tpu.memory_space<semaphore_mem>> -> memref<1x!tpu.dma_semaphore, #tpu.memory_space<semaphore_mem>>
        %dma_start3A_668 = tpu.memref_squeeze %dma_start3A_667 : memref<1x!tpu.dma_semaphore, #tpu.memory_space<semaphore_mem>> -> memref<!tpu.dma_semaphore, #tpu.memory_space<semaphore_mem>>
        %dma_start3A_669 = arith.constant 0 : i32
        %dma_start3A_670 = arith.constant 0 : i32
        %dma_start3A_671 = tpu.memref_slice %arg11[%dma_start3A_658, %dma_start3A_659, %dma_start3A_669, %dma_start3A_670] : memref<2x2x32x128xf32, #tpu.memory_space<vmem>> -> memref<1x1x32x128xf32, #tpu.memory_space<vmem>>
        %dma_start3A_672 = tpu.memref_squeeze %dma_start3A_671 : memref<1x1x32x128xf32, #tpu.memory_space<vmem>> -> memref<32x128xf32, #tpu.memory_space<vmem>>
        %dma_start3A_673 = arith.constant 0 : i32
        %dma_start3A_674 = tpu.memref_slice %arg5[%dma_start3A_673, %multiple_of3A_640] : memref<32x1000000xf32, #tpu.memory_space<hbm>> -> memref<32x128xf32, #tpu.memory_space<hbm>>
        tpu.enqueue_dma source(%dma_start3A_674 : memref<32x128xf32, #tpu.memory_space<hbm>>) target(%dma_start3A_672 : memref<32x128xf32, #tpu.memory_space<vmem>>) target_semaphore(%dma_start3A_668 : memref<!tpu.dma_semaphore, #tpu.memory_space<semaphore_mem>>)
        %slice3A_675 = vector.extract_strided_slice %get3A_622 {offsets = [1], sizes = [1], strides = [1]} : vector<16xi32> to vector<1xi32>
        %squeeze3A_676 = vector.extract %slice3A_675[0] : i32 from vector<1xi32>
        %shift_right_arithmetic3A_677 = arith.constant 7 : i32
        %shift_right_arithmetic3A_678 = arith.shrsi %squeeze3A_676, %shift_right_arithmetic3A_677 : i32
        %mul3A_679 = arith.constant 128 : i32
        %mul3A_680 = arith.muli %shift_right_arithmetic3A_678, %mul3A_679 : i32
        %multiple_of3A_681 = tpu.assume_multiple %mul3A_680, 128 : i32
        %slice3A_682 = vector.extract_strided_slice %get3A_626 {offsets = [1], sizes = [1], strides = [1]} : vector<16xi32> to vector<1xi32>
        %squeeze3A_683 = vector.extract %slice3A_682[0] : i32 from vector<1xi32>
        %shift_right_arithmetic3A_684 = arith.constant 7 : i32
        %shift_right_arithmetic3A_685 = arith.shrsi %squeeze3A_683, %shift_right_arithmetic3A_684 : i32
        %mul3A_686 = arith.constant 128 : i32
        %mul3A_687 = arith.muli %shift_right_arithmetic3A_685, %mul3A_686 : i32
        %multiple_of3A_688 = tpu.assume_multiple %mul3A_687, 128 : i32
        %dma_start3A_689 = arith.constant 1 : i32
        %dma_start3A_690 = arith.constant 1 : i32
        %dma_start3A_691 = arith.constant 1 : i32
        %dma_start3A_692 = arith.constant 0 : i32
        %dma_start3A_693 = arith.constant 0 : i32
        %dma_start3A_694 = tpu.memref_slice %arg10[%dma_start3A_689, %dma_start3A_690, %dma_start3A_692, %dma_start3A_693] : memref<2x2x32x128xf32, #tpu.memory_space<vmem>> -> memref<1x1x32x128xf32, #tpu.memory_space<vmem>>
        %dma_start3A_695 = tpu.memref_squeeze %dma_start3A_694 : memref<1x1x32x128xf32, #tpu.memory_space<vmem>> -> memref<32x128xf32, #tpu.memory_space<vmem>>
        %dma_start3A_696 = arith.constant 0 : i32
        %dma_start3A_697 = tpu.memref_slice %arg4[%dma_start3A_696, %multiple_of3A_681] : memref<32x1000000xf32, #tpu.memory_space<hbm>> -> memref<32x128xf32, #tpu.memory_space<hbm>>
        %dma_start3A_698 = tpu.memref_slice %arg15[%dma_start3A_691] : memref<2x!tpu.dma_semaphore, #tpu.memory_space<semaphore_mem>> -> memref<1x!tpu.dma_semaphore, #tpu.memory_space<semaphore_mem>>
        %dma_start3A_699 = tpu.memref_squeeze %dma_start3A_698 : memref<1x!tpu.dma_semaphore, #tpu.memory_space<semaphore_mem>> -> memref<!tpu.dma_semaphore, #tpu.memory_space<semaphore_mem>>
        %dma_start3A_700 = arith.constant 0 : i32
        %dma_start3A_701 = arith.constant 0 : i32
        %dma_start3A_702 = tpu.memref_slice %arg10[%dma_start3A_689, %dma_start3A_690, %dma_start3A_700, %dma_start3A_701] : memref<2x2x32x128xf32, #tpu.memory_space<vmem>> -> memref<1x1x32x128xf32, #tpu.memory_space<vmem>>
        %dma_start3A_703 = tpu.memref_squeeze %dma_start3A_702 : memref<1x1x32x128xf32, #tpu.memory_space<vmem>> -> memref<32x128xf32, #tpu.memory_space<vmem>>
        %dma_start3A_704 = arith.constant 0 : i32
        %dma_start3A_705 = tpu.memref_slice %arg4[%dma_start3A_704, %multiple_of3A_681] : memref<32x1000000xf32, #tpu.memory_space<hbm>> -> memref<32x128xf32, #tpu.memory_space<hbm>>
        tpu.enqueue_dma source(%dma_start3A_705 : memref<32x128xf32, #tpu.memory_space<hbm>>) target(%dma_start3A_703 : memref<32x128xf32, #tpu.memory_space<vmem>>) target_semaphore(%dma_start3A_699 : memref<!tpu.dma_semaphore, #tpu.memory_space<semaphore_mem>>)
        %dma_start3A_706 = arith.constant 1 : i32
        %dma_start3A_707 = arith.constant 1 : i32
        %dma_start3A_708 = arith.constant 1 : i32
        %dma_start3A_709 = arith.constant 0 : i32
        %dma_start3A_710 = arith.constant 0 : i32
        %dma_start3A_711 = tpu.memref_slice %arg11[%dma_start3A_706, %dma_start3A_707, %dma_start3A_709, %dma_start3A_710] : memref<2x2x32x128xf32, #tpu.memory_space<vmem>> -> memref<1x1x32x128xf32, #tpu.memory_space<vmem>>
        %dma_start3A_712 = tpu.memref_squeeze %dma_start3A_711 : memref<1x1x32x128xf32, #tpu.memory_space<vmem>> -> memref<32x128xf32, #tpu.memory_space<vmem>>
        %dma_start3A_713 = arith.constant 0 : i32
        %dma_start3A_714 = tpu.memref_slice %arg5[%dma_start3A_713, %multiple_of3A_688] : memref<32x1000000xf32, #tpu.memory_space<hbm>> -> memref<32x128xf32, #tpu.memory_space<hbm>>
        %dma_start3A_715 = tpu.memref_slice %arg15[%dma_start3A_708] : memref<2x!tpu.dma_semaphore, #tpu.memory_space<semaphore_mem>> -> memref<1x!tpu.dma_semaphore, #tpu.memory_space<semaphore_mem>>
        %dma_start3A_716 = tpu.memref_squeeze %dma_start3A_715 : memref<1x!tpu.dma_semaphore, #tpu.memory_space<semaphore_mem>> -> memref<!tpu.dma_semaphore, #tpu.memory_space<semaphore_mem>>
        %dma_start3A_717 = arith.constant 0 : i32
        %dma_start3A_718 = arith.constant 0 : i32
        %dma_start3A_719 = tpu.memref_slice %arg11[%dma_start3A_706, %dma_start3A_707, %dma_start3A_717, %dma_start3A_718] : memref<2x2x32x128xf32, #tpu.memory_space<vmem>> -> memref<1x1x32x128xf32, #tpu.memory_space<vmem>>
        %dma_start3A_720 = tpu.memref_squeeze %dma_start3A_719 : memref<1x1x32x128xf32, #tpu.memory_space<vmem>> -> memref<32x128xf32, #tpu.memory_space<vmem>>
        %dma_start3A_721 = arith.constant 0 : i32
        %dma_start3A_722 = tpu.memref_slice %arg5[%dma_start3A_721, %multiple_of3A_688] : memref<32x1000000xf32, #tpu.memory_space<hbm>> -> memref<32x128xf32, #tpu.memory_space<hbm>>
        tpu.enqueue_dma source(%dma_start3A_722 : memref<32x128xf32, #tpu.memory_space<hbm>>) target(%dma_start3A_720 : memref<32x128xf32, #tpu.memory_space<vmem>>) target_semaphore(%dma_start3A_716 : memref<!tpu.dma_semaphore, #tpu.memory_space<semaphore_mem>>)
      } else {
      }
      %scan3A_616 = arith.constant 0 : i32
      scf.yield %scan3A_616 : i32
    }
    %scan3A_208 = arith.constant 128 : i32
    %scan3A_209 = arith.constant 0 : i32
    %scan3A_210 = arith.constant 0 : i32
    %scan3A_211 = arith.constant 32 : i32
    %scan3A_212 = arith.addi %scan3A_210, %scan3A_211 : i32
    %scan3A_213 = arith.constant 1 : i32
    %scan3A_214 = scf.for %scan3A_216 = %scan3A_210 to %scan3A_212 step %scan3A_213 iter_args(%scan3A_217 = %scan3A_209) -> (i32)  : i32 {
      %mul3A_218 = arith.constant 16 : i32
      %mul3A_219 = arith.muli %scan3A_216, %mul3A_218 : i32
      %add3A_220 = vector.broadcast %mul3A_219 : i32 to vector<16xi32>
      %add3A_221 = arith.addi %add3A_220, %iota3A : vector<16xi32>
      %broadcast_in_dim3A = arith.constant 0.000000e+00 : f32
      %broadcast_in_dim3A_222 = vector.broadcast %broadcast_in_dim3A : f32 to vector<16xf32>
      %add3A_223 = arith.constant 0 : i32
      %add3A_224 = vector.broadcast %add3A_223 : i32 to vector<16xi32>
      %add3A_225 = arith.addi %iota3A, %add3A_224 : vector<16xi32>
      %and3A = arith.constant 15 : i32
      %and3A_226 = vector.broadcast %and3A : i32 to vector<16xi32>
      %and3A_227 = arith.andi %add3A_225, %and3A_226 : vector<16xi32>
      %gather3A = tpu.vector_load_idx %arg12[%add3A_221, %and3A_227] : memref<512x16xf32, #tpu.memory_space<vmem>>[vector<16xi32>, vector<16xi32>], vector<16xf32>,
      %add3A_228 = arith.addf %broadcast_in_dim3A_222, %gather3A : vector<16xf32>
      %add3A_229 = arith.constant 1 : i32
      %add3A_230 = vector.broadcast %add3A_229 : i32 to vector<16xi32>
      %add3A_231 = arith.addi %iota3A, %add3A_230 : vector<16xi32>
      %and3A_232 = arith.constant 15 : i32
      %and3A_233 = vector.broadcast %and3A_232 : i32 to vector<16xi32>
      %and3A_234 = arith.andi %add3A_231, %and3A_233 : vector<16xi32>
      %gather3A_235 = tpu.vector_load_idx %arg12[%add3A_221, %and3A_234] : memref<512x16xf32, #tpu.memory_space<vmem>>[vector<16xi32>, vector<16xi32>], vector<16xf32>,
      %add3A_236 = arith.addf %add3A_228, %gather3A_235 : vector<16xf32>
      %add3A_237 = arith.constant 2 : i32
      %add3A_238 = vector.broadcast %add3A_237 : i32 to vector<16xi32>
      %add3A_239 = arith.addi %iota3A, %add3A_238 : vector<16xi32>
      %and3A_240 = arith.constant 15 : i32
      %and3A_241 = vector.broadcast %and3A_240 : i32 to vector<16xi32>
      %and3A_242 = arith.andi %add3A_239, %and3A_241 : vector<16xi32>
      %gather3A_243 = tpu.vector_load_idx %arg12[%add3A_221, %and3A_242] : memref<512x16xf32, #tpu.memory_space<vmem>>[vector<16xi32>, vector<16xi32>], vector<16xf32>,
      %add3A_244 = arith.addf %add3A_236, %gather3A_243 : vector<16xf32>
      %add3A_245 = arith.constant 3 : i32
      %add3A_246 = vector.broadcast %add3A_245 : i32 to vector<16xi32>
      %add3A_247 = arith.addi %iota3A, %add3A_246 : vector<16xi32>
      %and3A_248 = arith.constant 15 : i32
      %and3A_249 = vector.broadcast %and3A_248 : i32 to vector<16xi32>
      %and3A_250 = arith.andi %add3A_247, %and3A_249 : vector<16xi32>
      %gather3A_251 = tpu.vector_load_idx %arg12[%add3A_221, %and3A_250] : memref<512x16xf32, #tpu.memory_space<vmem>>[vector<16xi32>, vector<16xi32>], vector<16xf32>,
      %add3A_252 = arith.addf %add3A_244, %gather3A_251 : vector<16xf32>
      %add3A_253 = arith.constant 4 : i32
      %add3A_254 = vector.broadcast %add3A_253 : i32 to vector<16xi32>
      %add3A_255 = arith.addi %iota3A, %add3A_254 : vector<16xi32>
      %and3A_256 = arith.constant 15 : i32
      %and3A_257 = vector.broadcast %and3A_256 : i32 to vector<16xi32>
      %and3A_258 = arith.andi %add3A_255, %and3A_257 : vector<16xi32>
      %gather3A_259 = tpu.vector_load_idx %arg12[%add3A_221, %and3A_258] : memref<512x16xf32, #tpu.memory_space<vmem>>[vector<16xi32>, vector<16xi32>], vector<16xf32>,
      %add3A_260 = arith.addf %add3A_252, %gather3A_259 : vector<16xf32>
      %add3A_261 = arith.constant 5 : i32
      %add3A_262 = vector.broadcast %add3A_261 : i32 to vector<16xi32>
      %add3A_263 = arith.addi %iota3A, %add3A_262 : vector<16xi32>
      %and3A_264 = arith.constant 15 : i32
      %and3A_265 = vector.broadcast %and3A_264 : i32 to vector<16xi32>
      %and3A_266 = arith.andi %add3A_263, %and3A_265 : vector<16xi32>
      %gather3A_267 = tpu.vector_load_idx %arg12[%add3A_221, %and3A_266] : memref<512x16xf32, #tpu.memory_space<vmem>>[vector<16xi32>, vector<16xi32>], vector<16xf32>,
      %add3A_268 = arith.addf %add3A_260, %gather3A_267 : vector<16xf32>
      %add3A_269 = arith.constant 6 : i32
      %add3A_270 = vector.broadcast %add3A_269 : i32 to vector<16xi32>
      %add3A_271 = arith.addi %iota3A, %add3A_270 : vector<16xi32>
      %and3A_272 = arith.constant 15 : i32
      %and3A_273 = vector.broadcast %and3A_272 : i32 to vector<16xi32>
      %and3A_274 = arith.andi %add3A_271, %and3A_273 : vector<16xi32>
      %gather3A_275 = tpu.vector_load_idx %arg12[%add3A_221, %and3A_274] : memref<512x16xf32, #tpu.memory_space<vmem>>[vector<16xi32>, vector<16xi32>], vector<16xf32>,
      %add3A_276 = arith.addf %add3A_268, %gather3A_275 : vector<16xf32>
      %add3A_277 = arith.constant 7 : i32
      %add3A_278 = vector.broadcast %add3A_277 : i32 to vector<16xi32>
      %add3A_279 = arith.addi %iota3A, %add3A_278 : vector<16xi32>
      %and3A_280 = arith.constant 15 : i32
      %and3A_281 = vector.broadcast %and3A_280 : i32 to vector<16xi32>
      %and3A_282 = arith.andi %add3A_279, %and3A_281 : vector<16xi32>
      %gather3A_283 = tpu.vector_load_idx %arg12[%add3A_221, %and3A_282] : memref<512x16xf32, #tpu.memory_space<vmem>>[vector<16xi32>, vector<16xi32>], vector<16xf32>,
      %add3A_284 = arith.addf %add3A_276, %gather3A_283 : vector<16xf32>
      %add3A_285 = arith.constant 8 : i32
      %add3A_286 = vector.broadcast %add3A_285 : i32 to vector<16xi32>
      %add3A_287 = arith.addi %iota3A, %add3A_286 : vector<16xi32>
      %and3A_288 = arith.constant 15 : i32
      %and3A_289 = vector.broadcast %and3A_288 : i32 to vector<16xi32>
      %and3A_290 = arith.andi %add3A_287, %and3A_289 : vector<16xi32>
      %gather3A_291 = tpu.vector_load_idx %arg12[%add3A_221, %and3A_290] : memref<512x16xf32, #tpu.memory_space<vmem>>[vector<16xi32>, vector<16xi32>], vector<16xf32>,
      %add3A_292 = arith.addf %add3A_284, %gather3A_291 : vector<16xf32>
      %add3A_293 = arith.constant 9 : i32
      %add3A_294 = vector.broadcast %add3A_293 : i32 to vector<16xi32>
      %add3A_295 = arith.addi %iota3A, %add3A_294 : vector<16xi32>
      %and3A_296 = arith.constant 15 : i32
      %and3A_297 = vector.broadcast %and3A_296 : i32 to vector<16xi32>
      %and3A_298 = arith.andi %add3A_295, %and3A_297 : vector<16xi32>
      %gather3A_299 = tpu.vector_load_idx %arg12[%add3A_221, %and3A_298] : memref<512x16xf32, #tpu.memory_space<vmem>>[vector<16xi32>, vector<16xi32>], vector<16xf32>,
      %add3A_300 = arith.addf %add3A_292, %gather3A_299 : vector<16xf32>
      %add3A_301 = arith.constant 10 : i32
      %add3A_302 = vector.broadcast %add3A_301 : i32 to vector<16xi32>
      %add3A_303 = arith.addi %iota3A, %add3A_302 : vector<16xi32>
      %and3A_304 = arith.constant 15 : i32
      %and3A_305 = vector.broadcast %and3A_304 : i32 to vector<16xi32>
      %and3A_306 = arith.andi %add3A_303, %and3A_305 : vector<16xi32>
      %gather3A_307 = tpu.vector_load_idx %arg12[%add3A_221, %and3A_306] : memref<512x16xf32, #tpu.memory_space<vmem>>[vector<16xi32>, vector<16xi32>], vector<16xf32>,
      %add3A_308 = arith.addf %add3A_300, %gather3A_307 : vector<16xf32>
      %add3A_309 = arith.constant 11 : i32
      %add3A_310 = vector.broadcast %add3A_309 : i32 to vector<16xi32>
      %add3A_311 = arith.addi %iota3A, %add3A_310 : vector<16xi32>
      %and3A_312 = arith.constant 15 : i32
      %and3A_313 = vector.broadcast %and3A_312 : i32 to vector<16xi32>
      %and3A_314 = arith.andi %add3A_311, %and3A_313 : vector<16xi32>
      %gather3A_315 = tpu.vector_load_idx %arg12[%add3A_221, %and3A_314] : memref<512x16xf32, #tpu.memory_space<vmem>>[vector<16xi32>, vector<16xi32>], vector<16xf32>,
      %add3A_316 = arith.addf %add3A_308, %gather3A_315 : vector<16xf32>
      %add3A_317 = arith.constant 12 : i32
      %add3A_318 = vector.broadcast %add3A_317 : i32 to vector<16xi32>
      %add3A_319 = arith.addi %iota3A, %add3A_318 : vector<16xi32>
      %and3A_320 = arith.constant 15 : i32
      %and3A_321 = vector.broadcast %and3A_320 : i32 to vector<16xi32>
      %and3A_322 = arith.andi %add3A_319, %and3A_321 : vector<16xi32>
      %gather3A_323 = tpu.vector_load_idx %arg12[%add3A_221, %and3A_322] : memref<512x16xf32, #tpu.memory_space<vmem>>[vector<16xi32>, vector<16xi32>], vector<16xf32>,
      %add3A_324 = arith.addf %add3A_316, %gather3A_323 : vector<16xf32>
      %add3A_325 = arith.constant 13 : i32
      %add3A_326 = vector.broadcast %add3A_325 : i32 to vector<16xi32>
      %add3A_327 = arith.addi %iota3A, %add3A_326 : vector<16xi32>
      %and3A_328 = arith.constant 15 : i32
      %and3A_329 = vector.broadcast %and3A_328 : i32 to vector<16xi32>
      %and3A_330 = arith.andi %add3A_327, %and3A_329 : vector<16xi32>
      %gather3A_331 = tpu.vector_load_idx %arg12[%add3A_221, %and3A_330] : memref<512x16xf32, #tpu.memory_space<vmem>>[vector<16xi32>, vector<16xi32>], vector<16xf32>,
      %add3A_332 = arith.addf %add3A_324, %gather3A_331 : vector<16xf32>
      %add3A_333 = arith.constant 14 : i32
      %add3A_334 = vector.broadcast %add3A_333 : i32 to vector<16xi32>
      %add3A_335 = arith.addi %iota3A, %add3A_334 : vector<16xi32>
      %and3A_336 = arith.constant 15 : i32
      %and3A_337 = vector.broadcast %and3A_336 : i32 to vector<16xi32>
      %and3A_338 = arith.andi %add3A_335, %and3A_337 : vector<16xi32>
      %gather3A_339 = tpu.vector_load_idx %arg12[%add3A_221, %and3A_338] : memref<512x16xf32, #tpu.memory_space<vmem>>[vector<16xi32>, vector<16xi32>], vector<16xf32>,
      %add3A_340 = arith.addf %add3A_332, %gather3A_339 : vector<16xf32>
      %add3A_341 = arith.constant 15 : i32
      %add3A_342 = vector.broadcast %add3A_341 : i32 to vector<16xi32>
      %add3A_343 = arith.addi %iota3A, %add3A_342 : vector<16xi32>
      %and3A_344 = arith.constant 15 : i32
      %and3A_345 = vector.broadcast %and3A_344 : i32 to vector<16xi32>
      %and3A_346 = arith.andi %add3A_343, %and3A_345 : vector<16xi32>
      %gather3A_347 = tpu.vector_load_idx %arg12[%add3A_221, %and3A_346] : memref<512x16xf32, #tpu.memory_space<vmem>>[vector<16xi32>, vector<16xi32>], vector<16xf32>,
      %add3A_348 = arith.addf %add3A_340, %gather3A_347 : vector<16xf32>
      %mul3A_349 = vector.broadcast %squeeze3A : f32 to vector<16xf32>
      %mul3A_350 = arith.mulf %add3A_348, %mul3A_349 : vector<16xf32>
      %add3A_351 = vector.broadcast %squeeze3A_5 : f32 to vector<16xf32>
      %add3A_352 = arith.addf %mul3A_350, %add3A_351 : vector<16xf32>
      %neg3A = arith.constant 0.000000e+00 : f32
      %neg3A_353 = vector.broadcast %neg3A : f32 to vector<16xf32>
      %neg3A_354 = arith.subf %neg3A_353, %add3A_352 : vector<16xf32>
      %exp3A = math.exp %neg3A_354 : vector<16xf32>
      %add3A_355 = arith.constant 1.000000e+00 : f32
      %add3A_356 = vector.broadcast %add3A_355 : f32 to vector<16xf32>
      %add3A_357 = arith.addf %add3A_356, %exp3A : vector<16xf32>
      %div3A = arith.constant 1.000000e+00 : f32
      %div3A_358 = vector.broadcast %div3A : f32 to vector<16xf32>
      %div3A_359 = arith.divf %div3A_358, %add3A_357 : vector<16xf32>
      %mul3A_360 = arith.constant 16 : i32
      %mul3A_361 = arith.muli %scan3A_216, %mul3A_360 : i32
      %swap3A = arith.index_cast %mul3A_361 : i32 to index
      %swap3A_362 = tpu.vector_load %arg13[%swap3A] {strides = array<i32>} : memref<512xf32, #tpu.memory_space<vmem>>, vector<16xf32>,
      tpu.vector_store %arg13[%swap3A], %div3A_359 {strides = array<i32>} : memref<512xf32, #tpu.memory_space<vmem>>, vector<16xf32>,
      %scan3A_363 = arith.constant 0 : i32
      scf.yield %scan3A_363 : i32
    }
    %scan3A_215 = arith.constant 32 : i32
    "tpu.region"() ({
      %run_scoped3A = tpu.sem_alloc : memref<!tpu.dma_semaphore, #tpu.memory_space<semaphore_mem>>
      %dma_start3A_216 = tpu.memref_slice %arg7[%mul3A_2] : memref<16384xf32, #tpu.memory_space<hbm>> -> memref<512xf32, #tpu.memory_space<hbm>>
      %dma_start3A_217 = tpu.memref_slice %arg7[%mul3A_2] : memref<16384xf32, #tpu.memory_space<hbm>> -> memref<512xf32, #tpu.memory_space<hbm>>
      tpu.enqueue_dma source(%arg13 : memref<512xf32, #tpu.memory_space<vmem>>) target(%dma_start3A_217 : memref<512xf32, #tpu.memory_space<hbm>>) target_semaphore(%run_scoped3A : memref<!tpu.dma_semaphore, #tpu.memory_space<semaphore_mem>>)
      %dma_wait3A = tpu.memref_slice %arg7[%mul3A_2] : memref<16384xf32, #tpu.memory_space<hbm>> -> memref<512xf32, #tpu.memory_space<hbm>>
      %dma_wait3A_218 = tpu.memref_slice %arg7[%mul3A_2] : memref<16384xf32, #tpu.memory_space<hbm>> -> memref<512xf32, #tpu.memory_space<hbm>>
      tpu.wait_dma2 semaphore(%run_scoped3A : memref<!tpu.dma_semaphore, #tpu.memory_space<semaphore_mem>>) src(%arg13 : memref<512xf32, #tpu.memory_space<vmem>>) dst(%dma_wait3A_218 : memref<512xf32, #tpu.memory_space<hbm>>)
      tpu.yield
    }) : () -> ()
    return
  }
}

</mosaic_0001>

<sc_bundles>
// kernel: kernel.3.cloned.1.call-start
scs
__scs_entry_jumppad:
0x0: {  	(pc) =	sbr.rel $0x88, $3  }
0x1: {  	(tag) =	ssettag $0x0;
	lr =	simm.s32 $0x1  }
0x2: {  	[smem:$0x3F9C] =	sst lr;
	_ =	strace $0xD0000000  }
0x3: {  	_ = 	snop  }
0x4: {  	_ = 	snop  }
0x5: {  	_ = 	snop  }
0x6: {  	_ = 	snop  }
0x7: {  	_ = 	snop  }
__scs_overlays_trampoline_lowered:
0x8: {  	[smem:$0x3FAB] =	sst s0  }
0x9: {  	[smem:$0x3FAC] =	sst s1  }
0xa: {  	[smem:$0x3FAD] =	sst s2  }
0xb: {  	[smem:$0x3FAE] =	sst s3  }
0xc: {  	[smem:$0x3FAF] =	sst s4  }
0xd: {  	[smem:$0x3FB0] =	sst s5  }
0xe: {  	[smem:$0x3FB1] =	sst s6  }
0xf: {  	[smem:$0x3FB2] =	sst s7  }
0x10: {  	[smem:$0x3FB3] =	sst s8  }
0x11: {  	[smem:$0x3FB4] =	sst s9;
	s0 =	simm.s32 @!p0 $0x0  }
0x12: {  	s1 =	sld [smem:$0x3F9A];
	s0 =	simm.s32 @p0 $0x1  }
0x13: {  	[smem:$0x3FB5] =	sst s0;
	s0 =	simm.s32 @!p1 $0x0  }
0x14: {  	s2 =	sld [smem:$0x3F99];
	s0 =	simm.s32 @p1 $0x1  }
0x15: {  	[smem:$0x3FB6] =	sst s0;
	s0 =	simm.s32 @!p2 $0x0  }
0x16: {  	s3 =	sld [smem:$0x3FDB];
	s0 =	simm.s32 @p2 $0x1  }
0x17: {  	s4 =	simm.s32 $0x1BF5;
	[smem:$0x3FB8] =	sst s0  }
0x18: {  	s0 =	sld [smem:$0x3F9B];
	_ =	swait.ge [sflag:s4], $0x0  }
0x19: {  	s7 =	sld [smem:$0x3F9C]  }
0x1a: {  	s8 =	sadd.s32 $0xFFFFE003, lr  }
0x1b: {  	s9 =	sadd.s32 $0xFFFFFEF7, lr;
	s5 =	simm.s32 $0xFFFFFFFF;
	p2 =	slt.u32 s8, $0xFFFFF086  }
0x1c: {  	p1 =	slt.u32 s9, $0xF7A;
	s5 =	simm.s32 @!p2 $0x0  }
0x1d: {  	s5 =	simm.s32 @p1 $0x1;
	p0 =	seq.s32 s7, s2  }
0x1e: {  	s7 =	smul.u32 @!p0 $0xF7A, s2;
	p2 =	seq.s32 @!p0 s5, $0x0  }
0x1f: {  	s9 =	smul.u32 $0xF7A, s1;
	s8 =	simm.s32 @!p0 $0x1BF5;
	p2 =	por !p2, p0  }
0x20: {  	[sflag:s8] =	ssyncset.s32 @!p0 $0xFFFFF086;
	s6 =	sadd.s32 @!p0 s3, s7;
	s7 =	simm.s32 @!p0 $0x108  }
0x21: {  	s3 =	sadd.s32 s3, s9;
	s6 =	sadd.s32 @!p0 $0x88, s6;
	s7 =	simm.s32 @p2 $0x1082  }
0x22: {  	[simem:s7], [sflag:s8] =	dma.local @!p0 [hbm:s6], $0xF7A  }
0x23: {  	s9 =	sor.u32 $0xD0000000, s2;
	s6 =	simm.s32 $0x108;
	_ =	swait.ge @!p0 [sflag:s8], $0x0  }
0x24: {  	s3 =	sadd.s32 $0x88, s3;
	s6 =	simm.s32 @!p1 $0x1082;
	[sflag:s4] =	ssyncset.s32 $0xFFFFF086  }
0x25: {  	[simem:s6], [sflag:s4] =	dma.local [hbm:s3], $0xF7A  }
0x26: {  	[smem:$0x3F9C] =	sst s1;
	(tag) =	ssettag s2;
	_ =	strace s9  }
0x27: {  	s1 =	sld [smem:$0x3FAC]  }
0x28: {  	s2 =	sld [smem:$0x3FAD]  }
0x29: {  	s4 =	sld [smem:$0x3FAF]  }
0x2a: {  	p0 =	seq.s32 s5, $0x0;
	s5 =	sld [smem:$0x3FB0]  }
0x2b: {  	s6 =	sld [smem:$0x3FB1]  }
0x2c: {  	s7 =	sld [smem:$0x3FB2]  }
0x2d: {  	s3 =	simm.s32 $0x108;
	s8 =	sld [smem:$0x3FB3]  }
0x2e: {  	s3 =	simm.s32 @!p0 $0x1082;
	s9 =	sld [smem:$0x3FB4]  }
0x2f: {  	lr =	sadd.s32 s0, s3;
	s0 =	sld [smem:$0x3FAB]  }
0x30: {  	s3 =	sld [smem:$0x3FAE]  }
0x31: {  	[smem:$0x3FB7] =	sst s10  }
0x32: {  	s10 =	sld [smem:$0x3FB5];
	_ =	sdelay $0x3  }
0x33: {  	p0 =	seq.s32 s10, $0x1;
	s10 =	sld [smem:$0x3FB7];
	_ =	sdelay $0x3  }
0x34: {  	[smem:$0x3FB7] =	sst s10  }
0x35: {  	s10 =	sld [smem:$0x3FB6];
	_ =	sdelay $0x3  }
0x36: {  	p1 =	seq.s32 s10, $0x1;
	s10 =	sld [smem:$0x3FB7];
	_ =	sdelay $0x3  }
0x37: {  	[smem:$0x3FB7] =	sst s10  }
0x38: {  	s10 =	sld [smem:$0x3FB8]  }
0x39: {  	_ = 	snop;
	(pc) =	sbr.ind lr, $3  }
0x3a: {  	_ = 	snop  }
0x3b: {  	_ = 	snop  }
0x3c: {  	p2 =	seq.s32 s10, $0x1;
	s10 =	sld [smem:$0x3FB7]  }
0x3d: {  	_ =	shalt  }
0x3e: {  	_ =	shalt  }
0x3f: {  	_ =	shalt  }
0x40: {  	_ =	shalt  }
0x41: {  	_ =	shalt  }
0x42: {  	_ =	shalt  }
0x43: {  	_ =	shalt  }
0x44: {  	_ =	shalt  }
0x45: {  	_ =	shalt  }
0x46: {  	_ =	shalt  }
0x47: {  	_ =	shalt  }
0x48: {  	_ =	shalt  }
0x49: {  	_ =	shalt  }
0x4a: {  	_ =	shalt  }
0x4b: {  	_ =	shalt  }
0x4c: {  	_ =	shalt  }
0x4d: {  	_ =	shalt  }
0x4e: {  	_ =	shalt  }
0x4f: {  	_ =	shalt  }
0x50: {  	_ =	shalt  }
0x51: {  	_ =	shalt  }
0x52: {  	_ =	shalt  }
0x53: {  	_ =	shalt  }
0x54: {  	_ =	shalt  }
0x55: {  	_ =	shalt  }
0x56: {  	_ =	shalt  }
0x57: {  	_ =	shalt  }
0x58: {  	_ =	shalt  }
0x59: {  	_ =	shalt  }
0x5a: {  	_ =	shalt  }
0x5b: {  	_ =	shalt  }
0x5c: {  	_ =	shalt  }
0x5d: {  	_ =	shalt  }
0x5e: {  	_ =	shalt  }
0x5f: {  	_ =	shalt  }
0x60: {  	_ =	shalt  }
0x61: {  	_ =	shalt  }
0x62: {  	_ =	shalt  }
0x63: {  	_ =	shalt  }
0x64: {  	_ =	shalt  }
0x65: {  	_ =	shalt  }
0x66: {  	_ =	shalt  }
0x67: {  	_ =	shalt  }
0x68: {  	_ =	shalt  }
0x69: {  	_ =	shalt  }
0x6a: {  	_ =	shalt  }
0x6b: {  	_ =	shalt  }
0x6c: {  	_ =	shalt  }
0x6d: {  	_ =	shalt  }
0x6e: {  	_ =	shalt  }
0x6f: {  	_ =	shalt  }
0x70: {  	_ =	shalt  }
0x71: {  	_ =	shalt  }
0x72: {  	_ =	shalt  }
0x73: {  	_ =	shalt  }
0x74: {  	_ =	shalt  }
0x75: {  	_ =	shalt  }
0x76: {  	_ =	shalt  }
0x77: {  	_ =	shalt  }
0x78: {  	_ =	shalt  }
0x79: {  	_ =	shalt  }
0x7a: {  	_ =	shalt  }
0x7b: {  	_ =	shalt  }
0x7c: {  	_ =	shalt  }
0x7d: {  	_ =	shalt  }
0x7e: {  	_ =	shalt  }
0x7f: {  	_ =	shalt  }
0x80: {  	_ =	shalt  }
0x81: {  	_ =	shalt  }
0x82: {  	_ =	shalt  }
0x83: {  	_ =	shalt  }
0x84: {  	_ =	shalt  }
0x85: {  	_ =	shalt  }
0x86: {  	_ =	shalt  }
0x87: {  	_ =	shalt  }
.Lfunc_end0:
.L_simem_size_0:
called_computation_lowered:
.L_overlay_start_0:
0x88: {  	s2 =	sld [smem:$0x3FD9]  }
0x89: {  	s3 =	sld [smem:$0x3FFE];
	_ =	sdelay $0x1  }
0x8a: {  	s1 =	srdreg.scid  }
0x8b: {  	s0 =	sand.u32 $0x1, s1  }
0x8c: {  	s17 =	sshll.u32 s0, $0xA;
	s2 =	sadd.s32 s3, s2  }
0x8d: {  	s2 =	sadd.s32 s2, s17  }
0x8e: {  	[smem:$0x3FC3] =	sst s2  }
0x8f: {  	_ = 	snop  }
0x90: {  	s2 =	sld [smem:$0x3FC8]  }
0x91: {  	s18 =	sld [smem:$0x3FC7]  }
0x92: {  	s4 =	sld [smem:$0x3FD0];
	(tm) =	ssettm $0x1  }
0x93: {  	s5 =	sld [smem:$0x3FFB];
	_ =	sdelay $0x3  }
0x94: {  	_ =	strace s5  }
0x95: {  	s5 =	sld [smem:$0x3FFC];
	_ =	sdelay $0x3  }
0x96: {  	_ =	strace s5  }
0x97: {  	s5 =	sld [smem:$0x3FFD];
	_ =	sdelay $0x3  }
0x98: {  	_ =	strace s5  }
0x99: {  	_ =	strace $0x8FFFFFFF  }
0x9a: {  	s19 =	sld [smem:$0x3FDB];
	_ =	sdelay $0x1  }
0x9b: {  	s6 =	simm.s32 $_scs_section_size  }
0x9c: {  	s7 =	simm.s32 $_size__tile_overlayer_lowered;
	s8 =	simm.s32 $_tile_overlayer_lowered  }
0x9d: {  	s22 =	simm.s32 $0x1BFF;
	s21 =	sshll.u32 s8, $0x1;
	s5 =	sadd.s32 s6, s19  }
0x9e: {  	s9 =	simm.s32 $0x0;
	s20 =	sshll.u32 s7, $0x1;
	s7 =	sadd.s32 s21, s5  }
0x9f: {  	[timem:s9], [sflag:s22] =	dma.local [hbm:s7], s20  }
0xa0: {  	_ =	swait.ge [sflag:s22], s20  }
0xa1: {  	s6 =	ssub.s32 $0x0, s20;
	[sflag:s22] =	ssyncset.done $0x0  }
0xa2: {  	[sflag:s22] =	ssyncadd.s32 s6;
	_ =	sdelay $0x1  }
0xa3: {  	s23 =	simm.s32 $0x1B8B  }
0xa4: {  	_ =	swait.ge [sflag:s23], $0x1  }
0xa5: {  	[sflag:s23] =	ssyncset.done $0x0  }
0xa6: {  	s25 =	simm.s32 $0x1B8E;
	s24 =	sld [smem:$0x3FFE];
	[sflag:s23] =	ssyncadd.s32 $0xFFFFFFFF  }
0xa7: {  	s26 =	simm.s32 $execute0_lowered;
	[smem:$0x3FD2] =	sst s25  }
0xa8: {  	s7 =	sshll.u32 s26, $0x1;
	_ =	strace $0x80000046;
	[dreg:$0x1] =	wrdreg $0xFFFFFFFF  }
0xa9: {  	s28 =	simm.s32 $_size_execute0_lowered;
	s5 =	sadd.s32 s5, s7;
	[dreg:$0x0] =	wrdreg $0x0  }
0xaa: {  	s7 =	sshll.u32 s28, $0x1;
	[dreg:$0x2] =	wrdreg s5  }
0xab: {  	[dreg:$0x3] =	wrdreg s7  }
0xac: {  	[dreg:$0x4] =	wrdreg $0xC0  }
0xad: {  	_ =	task [dreg:s9], $0x5FFFF  }
0xae: {  	[dreg:$0x1] =	wrdreg $0xFFFFFFFF  }
0xaf: {  	[dreg:$0x0] =	wrdreg $0x60  }
0xb0: {  	[dreg:$0x2] =	wrdreg s24  }
0xb1: {  	[dreg:$0x3] =	wrdreg s2  }
0xb2: {  	[dreg:$0x4] =	wrdreg s18  }
0xb3: {  	[dreg:$0x5] =	wrdreg s4  }
0xb4: {  	[dreg:$0x6] =	wrdreg $0x9  }
0xb5: {  	_ =	task.clear_ibuf [dreg:s9], $0x7FFFF;
	_ =	strace $0x90000046  }
0xb6: {  	s29 =	simm.s32 $0x9;
	_ =	strace $0x80000048  }
0xb7: {  	_ =	swait.ge [sflag:s29], $0x1  }
0xb8: {  	[sflag:s29] =	ssyncadd.s32 $0xFFFFFFFF  }
0xb9: {  	_ =	strace $0x90000048  }
0xba: {  	_ =	sfence  }
0xbb: {  	s30 =	sld [smem:$0x0];
	_ =	sdelay $0x2  }
0xbc: {  	s31 =	sshll.u32 s1, $0xD;
	s1 =	sshrl.u32 s1, $0x2  }
0xbd: {  	s3 =	sand.u32 $0x4000, s31;
	s1 =	sadd.s32 s1, s30  }
0xbe: {  	s0 =	sor.u32 s3, s0;
	s1 =	sshll.u32 s1, $0x11  }
0xbf: {  	s0 =	sor.u32 s1, s0  }
0xc0: {  	s0 =	sadd.s32 $0x8F2B, s0  }
0xc1: {  	[sflag:s0] =	ssyncadd.remote.s32 $0x1  }
0xc2: {  	_ =	sfence.sel $0xFFFF  }
0xc3: {  	[dreg:$0x0] =	wrdreg $0xFFFFFFFF;
	(pc) =	sbr.abs _section_cstart, $3  }
0xc4: {  	[dreg:$0x1] =	wrdreg $0xFFFFFFFF  }
0xc5: {  	_ =	task.clear_ibuf [dreg:s9], $0x2FFFF;
	_ =	strace $0x9FFFFFFF  }
0xc6: {  	(tm) =	ssettm $0x7FFFFFFF  }
0xc7: {  	_ =	shalt  }
tec
execute0_lowered:
.L_overlay_start_1:
0x0: {  	(tag) =	ssettag $0x1  }
0x1: {  	v0 =	vlaneseq.u32;
	v2 =	vimm.s32 $0xFEDCBA9;
	v4 =	vimm.s32 $0x87654321  }
0x2: {  	v5 =	vimm.s32 $0x98765432;
	v6 =	vimm.s32 $0x210FEDCB;
	v7 =	vimm.s32 $0xA9876543  }
0x3: {  	v17 =	vimm.s32 $0xCBA98765;
	v19 =	vimm.s32 $0x6543210F;
	v20 =	vimm.s32 $0xEDCBA987  }
0x4: {  	v21 =	vimm.s32 $0xFEDCBA98;
	v22 =	vimm.s32 $0x76543210;
	v1 =	vmul.u32 $0x80, v0  }
0x5: {  	v3 =	vunpack.c.l.s4.s8 v2;
	v5 =	vunpack.c.l.s4.s8 v5;
	v6 =	vunpack.c.l.s4.s8 v6  }
0x6: {  	v19 =	vunpack.c.l.s4.s8 v19;
	v20 =	vunpack.c.l.s4.s8 v20;
	v21 =	vunpack.c.l.s4.s8 v21  }
0x7: {  	v2 =	vor.u32 $0x800, v1;
	v9 =	vunpack.c.0.s8.s32 v3;
	v3 =	vunpack.c.l.s4.s8 v4  }
0x8: {  	v4 =	vimm.s32 $0x10FEDCBA;
	v12 =	vunpack.c.0.s8.s32 v5;
	v13 =	vunpack.c.0.s8.s32 v6  }
0x9: {  	v19 =	vunpack.c.0.s8.s32 v19;
	v20 =	vunpack.c.0.s8.s32 v20;
	v4 =	vunpack.c.l.s4.s8 v4  }
0xa: {  	v21 =	vunpack.c.0.s8.s32 v21;
	v10 =	vunpack.c.0.s8.s32 v3;
	v3 =	vunpack.c.l.s4.s8 v7  }
0xb: {  	v25 =	vcombine.low v20, v19;
	v11 =	vunpack.c.0.s8.s32 v4;
	v4 =	vimm.s32 $0x3210FEDC  }
0xc: {  	v21 =	vand.u32 $0xF, v21;
	v14 =	vunpack.c.0.s8.s32 v3;
	v3 =	vunpack.c.l.s4.s8 v4  }
0xd: {  	s5 =	rddreg [dreg:$0x0];
	v4 =	vimm.s32 $0xBA987654;
	v5 =	vcombine.low v10, v9;
	v63 =	vcombine.low v9, v10  }
0xe: {  	s0 =	rddreg [dreg:$0x1];
	v10 =	vand.u32 $0xF, v25;
	v6 =	vcombine.low v12, v11;
	v4 =	vunpack.c.l.s4.s8 v4  }
0xf: {  	s1 =	rddreg [dreg:$0x2];
	v12 =	vcombine.low v11, v12;
	v7 =	vcombine.low v14, v13;
	v15 =	vunpack.c.0.s8.s32 v3  }
0x10: {  	s8 =	rddreg [dreg:$0x3];
	s4 =	srdreg.scid;
	v3 =	vimm.s32 $0x43210FED;
	v13 =	vcombine.low v13, v14;
	v16 =	vunpack.c.0.s8.s32 v4  }
0x11: {  	s2 =	stileid.u32;
	s13 =	simm.s32 $0x400;
	s14 =	simm.s32 $0x7A1400;
	v8 =	vunpack.c.l.s4.s8 v3;
	v4 =	vand.u32 $0xF, v6;
	v6 =	vunpack.c.l.s4.s8 v17  }
0x12: {  	s15 =	simm.s32 $0x500;
	s16 =	simm.s32 $0x4500;
	s17 =	simm.s32 $0x1500;
	v11 =	vand.u32 $0xF, v63;
	v3 =	vand.u32 $0xF, v5;
	v12 =	vand.u32 $0xF, v12  }
0x13: {  	s18 =	simm.s32 $0x5500;
	s19 =	simm.s32 $0x2500;
	s20 =	simm.s32 $0x6500;
	v5 =	vand.u32 $0xF, v7;
	v17 =	vunpack.c.0.s8.s32 v8;
	v18 =	vunpack.c.0.s8.s32 v6  }
0x14: {  	s21 =	simm.s32 $0x3500;
	s22 =	simm.s32 $0x7500;
	s23 =	simm.s32 $0x1;
	v6 =	vimm.s32 $0x543210FE;
	v8 =	vimm.s32 $0xDCBA9876;
	v14 =	vcombine.low v15, v16  }
0x15: {  	s24 =	simm.s32 $0x2;
	s25 =	simm.s32 $0x8500;
	s26 =	simm.s32 $0x18500;
	v13 =	vand.u32 $0xF, v13;
	v6 =	vunpack.c.l.s4.s8 v6;
	v8 =	vunpack.c.l.s4.s8 v8  }
0x16: {  	s28 =	simm.s32 $0x0;
	s6 =	sand.u32 $0x1, s4;
	s4 =	simm.s32 $0x0;
	v7 =	vcombine.low v16, v15;
	v15 =	vcombine.low v17, v18;
	v14 =	vand.u32 $0xF, v14  }
0x17: {  	s7 =	sshll.u32 s2, $0x7;
	s9 =	sshll.u32 s6, $0x6;
	[smem:$0x7FF] =	sst s4;
	v23 =	vunpack.c.0.s8.s32 v6;
	v24 =	vunpack.c.0.s8.s32 v8;
	v8 =	vunpack.c.l.s4.s8 v22  }
0x18: {  	s6 =	ssub.s32 $0x2, s6;
	s9 =	sor.u32 s9, s7;
	_ =	strace $0x80000047;
	v6 =	vand.u32 $0xF, v7;
	v7 =	vcombine.low v18, v17;
	v17 =	vcombine.low v19, v20  }
0x19: {  	s10 =	sshrl.u32 s6, $0x1;
	s7 =	sadd.s32 s9, s5;
	s5 =	sadd.s32 $0x1800, s5;
	v8 =	vunpack.c.0.s8.s32 v8;
	v62 =	vcombine.low v24, v23;
	v16 =	vcombine.low v23, v24  }
0x1a: {  	s10 =	ssub.s32 s6, s10;
	s8 =	sadd.s32 s8, s9;
	s6 =	sadd.s32 $0x1000, s7;
	v15 =	vand.u32 $0xF, v15;
	v7 =	vand.u32 $0xF, v7;
	v17 =	vand.u32 $0xF, v17  }
0x1b: {  	s7 =	sadd.s32 $0x800, s7;
	s9 =	smax.u32 s10, $0x1;
	s10 =	simm.s32 $0x3;
	v8 =	vcombine.low v21, v8;
	v9 =	vand.u32 $0xF, v62;
	v16 =	vand.u32 $0xF, v16  }
.LBB2_1:
0x1c: {  	[tilespmem:s4], [sflag:$0x3] =	stream.linear.gather [hbm4b:s6+s4], $0x200, $0x38;
	[tilespmem:$0x18780] =	vst v63  }
0x1d: {  	_ =	swait.ge [sflag:s10], $0x200  }
0x1e: {  	[sflag:s10] =	ssyncset.done $0x0  }
0x1f: {  	s2 =	simm.s32 $0x280;
	[sflag:s10] =	ssyncadd.s32 $0xFFFFFE00  }
0x20: {  	[tilespmem:s2], [sflag:$0x3] =	stream.linear.gather [hbm4b:s7+s4], $0x200, $0x38;
	[tilespmem:$0x18780] =	vst v63  }
0x21: {  	_ =	swait.ge [sflag:s10], $0x200  }
0x22: {  	[sflag:s10] =	ssyncset.done $0x0  }
0x23: {  	s31 =	simm.s32 $0x18700;
	[sflag:s10] =	ssyncadd.s32 $0xFFFFFE00  }
0x24: {  	[tilespmem:s31], [sflag:$0x3] =	stream.linear.gather [hbm4b:s5+s4], $0x80, $0x38;
	[tilespmem:$0x18780] =	vst v63  }
0x25: {  	_ =	swait.ge [sflag:s10], $0x80  }
0x26: {  	[sflag:s10] =	ssyncset.done $0x0  }
0x27: {  	[sflag:s10] =	ssyncadd.s32 $0xFFFFFF80  }
0x28: {  	v18 =	vld [tilespmem:$0x0];
	_ =	sdelay $0x3  }
0x29: {  	v19 =	vld [tilespmem:$0x280]  }
0x2a: {  	(v2sf) =	vpush v18, $0x0;
	_ =	sdelay $0x3  }
0x2b: {  	(v2sf) =	vpush v19, $0x0;
	_ =	sdelay $0x3  }
0x2c: {  	(v2sf) =	vpush v18, $0x1;
	_ =	sdelay $0x3  }
0x2d: {  	(v2sf) =	vpush v19, $0x1;
	_ =	sdelay $0x2  }
0x2e: {  	s29 =	spop (v2sf)  }
0x2f: {  	s29 =	sand.u32 $0xFFFFF80, s29  }
0x30: {  	s29 =	sadd.s32 s0, s29  }
0x31: {  	v19 =	vld [tilespmem:$0x18700];
	[tilespmem:s15], [sflag:$0x1] =	stream.strided.gather [hbm4b:s29+s13], $0x1000, s14, s13, $0x38  }
0x32: {  	s29 =	spop (v2sf)  }
0x33: {  	s29 =	sand.u32 $0xFFFFF80, s29  }
0x34: {  	s29 =	sadd.s32 s1, s29  }
0x35: {  	[tilespmem:s16], [sflag:$0x1] =	stream.strided.gather [hbm4b:s29+s13], $0x1000, s14, s13, $0x38;
	[tilespmem:$0x18780] =	vst v63  }
0x36: {  	s29 =	spop (v2sf)  }
0x37: {  	s29 =	sand.u32 $0xFFFFF80, s29  }
0x38: {  	s29 =	sadd.s32 s0, s29  }
0x39: {  	[tilespmem:s17], [sflag:$0x1] =	stream.strided.gather [hbm4b:s29+s13], $0x1000, s14, s13, $0x38;
	[tilespmem:$0x18780] =	vst v63  }
0x3a: {  	s29 =	spop (v2sf)  }
0x3b: {  	s29 =	sand.u32 $0xFFFFF80, s29  }
0x3c: {  	s29 =	sadd.s32 s1, s29  }
0x3d: {  	[tilespmem:s18], [sflag:$0x1] =	stream.strided.gather [hbm4b:s29+s13], $0x1000, s14, s13, $0x38;
	[tilespmem:$0x18780] =	vst v63  }
0x3e: {  	v18 =	vld [tilespmem:$0x2];
	_ =	sdelay $0x1  }
0x3f: {  	v20 =	vld [tilespmem:$0x282];
	_ =	sdelay $0x2  }
0x40: {  	(v2sf) =	vpush v18, $0x0;
	_ =	sdelay $0x1  }
0x41: {  	(v2sf) =	vpush v20, $0x0;
	_ =	sdelay $0x2  }
0x42: {  	(v2sf) =	vpush v18, $0x1;
	_ =	sdelay $0x4  }
0x43: {  	(v2sf) =	vpush v20, $0x1;
	_ =	sdelay $0x4  }
0x44: {  	s29 =	spop (v2sf)  }
0x45: {  	s29 =	sand.u32 $0xFFFFF80, s29  }
0x46: {  	s30 =	spop (v2sf);
	s29 =	sadd.s32 s0, s29  }
0x47: {  	[tilespmem:s19], [sflag:$0x2] =	stream.strided.gather [hbm4b:s29+s13], $0x1000, s14, s13, $0x38;
	[tilespmem:$0x18780] =	vst v63  }
0x48: {  	s29 =	sand.u32 $0xFFFFF80, s30  }
0x49: {  	s30 =	spop (v2sf);
	s29 =	sadd.s32 s1, s29  }
0x4a: {  	[tilespmem:s20], [sflag:$0x2] =	stream.strided.gather [hbm4b:s29+s13], $0x1000, s14, s13, $0x38;
	[tilespmem:$0x18780] =	vst v63  }
0x4b: {  	s29 =	sand.u32 $0xFFFFF80, s30  }
0x4c: {  	s29 =	sadd.s32 s0, s29  }
0x4d: {  	[tilespmem:s21], [sflag:$0x2] =	stream.strided.gather [hbm4b:s29+s13], $0x1000, s14, s13, $0x38;
	[tilespmem:$0x18780] =	vst v63  }
0x4e: {  	s29 =	spop (v2sf)  }
0x4f: {  	s29 =	sand.u32 $0xFFFFF80, s29  }
0x50: {  	s29 =	sadd.s32 s1, s29  }
0x51: {  	[tilespmem:s22], [sflag:$0x2] =	stream.strided.gather [hbm4b:s29+s13], $0x1000, s14, s13, $0x38;
	[tilespmem:$0x18780] =	vst v63  }
0x52: {  	s30 =	simm.s32 $0x0;
	s29 =	simm.s32 $0x8600  }
.LBB2_2:
0x53: {  	_ =	swait.ge [sflag:s23], $0x1000  }
0x54: {  	[sflag:s23] =	ssyncset.done $0x0  }
0x55: {  	[sflag:s23] =	ssyncadd.s32 $0xFFFFF000  }
0x56: {  	_ =	swait.ge [sflag:s23], $0x1000  }
0x57: {  	[sflag:s23] =	ssyncset.done $0x0  }
0x58: {  	[sflag:s23] =	ssyncadd.s32 $0xFFFFF000  }
0x59: {  	_ =	swait.ge [sflag:s23], $0x1000  }
0x5a: {  	[sflag:s23] =	ssyncset.done $0x0  }
0x5b: {  	[sflag:s23] =	ssyncadd.s32 $0xFFFFF000  }
0x5c: {  	_ =	swait.ge [sflag:s23], $0x1000  }
0x5d: {  	[sflag:s23] =	ssyncset.done $0x0  }
0x5e: {  	s31 =	sshra.s32 s30, $0x2;
	[sflag:s23] =	ssyncadd.s32 $0xFFFFF000  }
0x5f: {  	v18 =	vld [tilespmem:s31+$0x0];
	_ =	sdelay $0x1  }
0x60: {  	v20 =	vld [tilespmem:s31+$0x280];
	_ =	sdelay $0x2  }
0x61: {  	(v2sf) =	vpush v18, $0x0;
	_ =	sdelay $0x1  }
0x62: {  	(v2sf) =	vpush v20, $0x0;
	_ =	sdelay $0xa  }
0x63: {  	(v2sf) =	vpush v18, $0x1;
	_ =	sdelay $0x1  }
0x64: {  	(v2sf) =	vpush v20, $0x1;
	s2 =	spop (v2sf)  }
0x65: {  	s2 =	sand.u32 $0x7F, s2  }
0x66: {  	s3 =	spop (v2sf);
	v18 =	vor.u32 s2, v1  }
0x67: {  	s3 =	sand.u32 $0x7F, s3;
	v20 =	vor.u32 s2, v2  }
0x68: {  	v21 =	vor.u32 s3, v1  }
0x69: {  	v22 =	vor.u32 s3, v2;
	_ =	sdelay $0x1  }
0x6a: {  	v18 =	vld.idx.msk [tilespmem:v18+s15+$0x0], $0xffff  }
0x6b: {  	v20 =	vld.idx.msk [tilespmem:v20+s15+$0x0], $0xffff  }
0x6c: {  	v21 =	vld.idx.msk [tilespmem:v21+s16+$0x0], $0xffff  }
0x6d: {  	v22 =	vld.idx.msk [tilespmem:v22+s16+$0x0], $0xffff;
	_ =	sdelay $0x2  }
0x6e: {  	s11 =	spop (v2sf)  }
0x6f: {  	s2 =	sand.u32 $0x7F, s11  }
0x70: {  	s12 =	spop (v2sf);
	v53 =	vor.u32 s2, v1;
	v18 =	vmul.f32 v21, v18;
	v20 =	vmul.f32 v22, v20  }
0x71: {  	s3 =	sand.u32 $0x7F, s12;
	v54 =	vor.u32 s2, v2  }
0x72: {  	v23 =	vor.u32 s3, v2;
	v18 =	vadd.f32 v20, v18  }
0x73: {  	v20 =	vor.u32 s3, v1  }
0x74: {  	[tilespmem:s29+$0xFFFFFF00] =	vst v18  }
0x75: {  	v18 =	vld.idx.msk [tilespmem:v53+s17+$0x0], $0xffff  }
0x76: {  	v55 =	vld.idx.msk [tilespmem:v54+s17+$0x0], $0xffff  }
0x77: {  	v56 =	vld.idx.msk [tilespmem:v23+s18+$0x0], $0xffff  }
0x78: {  	v20 =	vld.idx.msk [tilespmem:v20+s18+$0x0], $0xffff;
	_ =	sdelay $0x4  }
0x79: {  	v18 =	vmul.f32 v20, v18;
	v20 =	vmul.f32 v56, v55;
	_ =	sdelay $0x1  }
0x7a: {  	v18 =	vadd.f32 v20, v18  }
0x7b: {  	p0 =	seq.s32 s30, $0x7F0  }
0x7c: {  	s2 =	sshra.s32 @!p0 s30, $0x2;
	[tilespmem:s29+$0xFFFFFF80] =	vst v18  }
0x7d: {  	v18 =	vld @!p0 [tilespmem:s2+$0x4];
	_ =	sdelay $0x3  }
0x7e: {  	v20 =	vld @!p0 [tilespmem:s2+$0x284]  }
0x7f: {  	(v2sf) =	vpush @!p0 v18, $0x0;
	_ =	sdelay $0x3  }
0x80: {  	(v2sf) =	vpush @!p0 v20, $0x0;
	_ =	sdelay $0x3  }
0x81: {  	(v2sf) =	vpush @!p0 v18, $0x1;
	_ =	sdelay $0x3  }
0x82: {  	(v2sf) =	vpush @!p0 v20, $0x1;
	_ =	sdelay $0x2  }
0x83: {  	s2 =	spop @!p0 (v2sf)  }
0x84: {  	s11 =	simm.s32 @!p0 $0x7A1400;
	s2 =	sand.u32 @!p0 $0xFFFFF80, s2  }
0x85: {  	s12 =	simm.s32 @!p0 $0x500;
	s3 =	simm.s32 @!p0 $0x400;
	s2 =	sadd.s32 @!p0 s0, s2  }
0x86: {  	[tilespmem:s12], [sflag:$0x1] =	stream.strided.gather @!p0 [hbm4b:s2+s3], $0x1000, s11, s3, $0x38;
	[tilespmem:$0x18780] =	vst v63  }
0x87: {  	s2 =	spop @!p0 (v2sf)  }
0x88: {  	s2 =	sand.u32 @!p0 $0xFFFFF80, s2  }
0x89: {  	s12 =	simm.s32 @!p0 $0x4500;
	s2 =	sadd.s32 @!p0 s1, s2  }
0x8a: {  	[tilespmem:s12], [sflag:$0x1] =	stream.strided.gather @!p0 [hbm4b:s2+s3], $0x1000, s11, s3, $0x38;
	[tilespmem:$0x18780] =	vst v63  }
0x8b: {  	s2 =	spop @!p0 (v2sf)  }
0x8c: {  	s2 =	sand.u32 @!p0 $0xFFFFF80, s2  }
0x8d: {  	s12 =	simm.s32 @!p0 $0x1500;
	s2 =	sadd.s32 @!p0 s0, s2  }
0x8e: {  	[tilespmem:s12], [sflag:$0x1] =	stream.strided.gather @!p0 [hbm4b:s2+s3], $0x1000, s11, s3, $0x38;
	[tilespmem:$0x18780] =	vst v63  }
0x8f: {  	s2 =	spop @!p0 (v2sf)  }
0x90: {  	s2 =	sand.u32 @!p0 $0xFFFFF80, s2  }
0x91: {  	s12 =	simm.s32 @!p0 $0x5500;
	s2 =	sadd.s32 @!p0 s1, s2  }
0x92: {  	[tilespmem:s12], [sflag:$0x1] =	stream.strided.gather @!p0 [hbm4b:s2+s3], $0x1000, s11, s3, $0x38;
	[tilespmem:$0x18780] =	vst v63  }
0x93: {  	_ =	swait.ge [sflag:s24], $0x1000  }
0x94: {  	[sflag:s24] =	ssyncset.done $0x0  }
0x95: {  	[sflag:s24] =	ssyncadd.s32 $0xFFFFF000  }
0x96: {  	_ =	swait.ge [sflag:s24], $0x1000  }
0x97: {  	[sflag:s24] =	ssyncset.done $0x0  }
0x98: {  	[sflag:s24] =	ssyncadd.s32 $0xFFFFF000  }
0x99: {  	_ =	swait.ge [sflag:s24], $0x1000  }
0x9a: {  	[sflag:s24] =	ssyncset.done $0x0  }
0x9b: {  	[sflag:s24] =	ssyncadd.s32 $0xFFFFF000  }
0x9c: {  	_ =	swait.ge [sflag:s24], $0x1000  }
0x9d: {  	[sflag:s24] =	ssyncset.done $0x0  }
0x9e: {  	[sflag:s24] =	ssyncadd.s32 $0xFFFFF000  }
0x9f: {  	v18 =	vld [tilespmem:s31+$0x2];
	_ =	sdelay $0x1  }
0xa0: {  	v20 =	vld [tilespmem:s31+$0x282];
	_ =	sdelay $0x2  }
0xa1: {  	(v2sf) =	vpush v18, $0x0;
	_ =	sdelay $0x1  }
0xa2: {  	(v2sf) =	vpush v20, $0x0;
	_ =	sdelay $0xa  }
0xa3: {  	(v2sf) =	vpush v18, $0x1;
	_ =	sdelay $0x1  }
0xa4: {  	s11 =	spop (v2sf);
	(v2sf) =	vpush v20, $0x1  }
0xa5: {  	s2 =	sand.u32 $0x7F, s11  }
0xa6: {  	s12 =	spop (v2sf);
	v18 =	vor.u32 s2, v1  }
0xa7: {  	s3 =	sand.u32 $0x7F, s12;
	v20 =	vor.u32 s2, v2  }
0xa8: {  	v57 =	vor.u32 s3, v1  }
0xa9: {  	v58 =	vor.u32 s3, v2;
	_ =	sdelay $0x1  }
0xaa: {  	v18 =	vld.idx.msk [tilespmem:v18+s19+$0x0], $0xffff  }
0xab: {  	v20 =	vld.idx.msk [tilespmem:v20+s19+$0x0], $0xffff  }
0xac: {  	v21 =	vld.idx.msk [tilespmem:v57+s20+$0x0], $0xffff  }
0xad: {  	v22 =	vld.idx.msk [tilespmem:v58+s20+$0x0], $0xffff;
	_ =	sdelay $0x2  }
0xae: {  	s11 =	spop (v2sf)  }
0xaf: {  	s2 =	sand.u32 $0x7F, s11  }
0xb0: {  	v59 =	vor.u32 s2, v1;
	v18 =	vmul.f32 v21, v18;
	v20 =	vmul.f32 v22, v20;
	s12 =	spop (v2sf)  }
0xb1: {  	v60 =	vor.u32 s2, v2;
	s3 =	sand.u32 $0x7F, s12  }
0xb2: {  	v18 =	vadd.f32 v20, v18;
	v20 =	vor.u32 s3, v1  }
0xb3: {  	v61 =	vor.u32 s3, v2  }
0xb4: {  	[tilespmem:s29+$0x0] =	vst v18  }
0xb5: {  	v18 =	vld.idx.msk [tilespmem:v59+s21+$0x0], $0xffff  }
0xb6: {  	v62 =	vld.idx.msk [tilespmem:v60+s21+$0x0], $0xffff  }
0xb7: {  	v20 =	vld.idx.msk [tilespmem:v20+s22+$0x0], $0xffff  }
0xb8: {  	v63 =	vld.idx.msk [tilespmem:v61+s22+$0x0], $0xffff;
	_ =	sdelay $0x4  }
.Ltmp0:
0xb9: {  	v18 =	vmul.f32 v20, v18;
	v20 =	vmul.f32 v63, v62;
	(pc) =	sbr.rel @p0 .LBB2_4-.Ltmp0, $3  }
0xba: {  	_ = 	snop  }
0xbb: {  	v18 =	vadd.f32 v20, v18;
	_ =	sdelay $0x1  }
0xbc: {  	[tilespmem:s29+$0x80] =	vst v18  }
0xbd: {  	v18 =	vld [tilespmem:s31+$0x6];
	_ =	sdelay $0x1  }
0xbe: {  	v20 =	vld [tilespmem:s31+$0x286];
	_ =	sdelay $0x2  }
0xbf: {  	(v2sf) =	vpush v18, $0x0;
	_ =	sdelay $0x1  }
0xc0: {  	(v2sf) =	vpush v20, $0x0;
	_ =	sdelay $0x2  }
0xc1: {  	(v2sf) =	vpush v18, $0x1;
	_ =	sdelay $0x2  }
0xc2: {  	(v2sf) =	vpush v20, $0x1;
	_ =	sdelay $0x6  }
0xc3: {  	s2 =	spop (v2sf)  }
0xc4: {  	s2 =	sand.u32 $0xFFFFF80, s2  }
0xc5: {  	s11 =	spop (v2sf);
	s2 =	sadd.s32 s0, s2  }
0xc6: {  	[tilespmem:s19], [sflag:$0x2] =	stream.strided.gather [hbm4b:s2+s13], $0x1000, s14, s13, $0x38;
	[tilespmem:$0x18780] =	vst v63  }
0xc7: {  	s2 =	sand.u32 $0xFFFFF80, s11  }
0xc8: {  	s12 =	spop (v2sf);
	s2 =	sadd.s32 s1, s2  }
0xc9: {  	[tilespmem:s20], [sflag:$0x2] =	stream.strided.gather [hbm4b:s2+s13], $0x1000, s14, s13, $0x38;
	[tilespmem:$0x18780] =	vst v63  }
0xca: {  	s2 =	sand.u32 $0xFFFFF80, s12  }
.Ltmp1:
0xcb: {  	s31 =	spop (v2sf);
	s2 =	sadd.s32 s0, s2;
	(pc) =	sbr.rel .LBB2_2-.Ltmp1, $4  }
0xcc: {  	[tilespmem:s21], [sflag:$0x2] =	stream.strided.gather [hbm4b:s2+s13], $0x1000, s14, s13, $0x38;
	[tilespmem:$0x18780] =	vst v63  }
0xcd: {  	s2 =	sand.u32 $0xFFFFF80, s31  }
0xce: {  	s30 =	sadd.s32 $0x10, s30;
	s29 =	sadd.s32 $0x200, s29;
	s2 =	sadd.s32 s1, s2  }
0xcf: {  	[tilespmem:s22], [sflag:$0x2] =	stream.strided.gather [hbm4b:s2+s13], $0x1000, s14, s13, $0x38;
	[tilespmem:$0x18780] =	vst v63  }
.LBB2_4:
0xd0: {  	s30 =	simm.s32 $0x0  }
0xd1: {  	v20 =	vmov s30  }
0xd2: {  	v20 =	vshll.u32 v20, $0x7  }
0xd3: {  	v20 =	vor.u32 v1, v20  }
0xd4: {  	v21 =	vor.u32 v0, v20;
	_ =	sdelay $0x1  }
0xd5: {  	v22 =	vor.u32 v3, v20;
	_ =	sdelay $0x1  }
0xd6: {  	v23 =	vor.u32 v4, v20  }
0xd7: {  	v21 =	vld.idx.msk [tilespmem:v21+s25+$0x0], $0xffff  }
0xd8: {  	v24 =	vor.u32 v5, v20  }
0xd9: {  	v22 =	vld.idx.msk [tilespmem:v22+s25+$0x0], $0xffff  }
0xda: {  	v25 =	vor.u32 v6, v20  }
0xdb: {  	v23 =	vld.idx.msk [tilespmem:v23+s25+$0x0], $0xffff  }
0xdc: {  	v26 =	vor.u32 v7, v20;
	v21 =	vadd.f32 $0.0e+00, v21  }
0xdd: {  	v24 =	vld.idx.msk [tilespmem:v24+s25+$0x0], $0xffff  }
0xde: {  	v27 =	vor.u32 v9, v20;
	v21 =	vadd.f32 v22, v21  }
0xdf: {  	v22 =	vld.idx.msk [tilespmem:v25+s25+$0x0], $0xffff  }
0xe0: {  	v37 =	vor.u32 v10, v20;
	v21 =	vadd.f32 v23, v21  }
0xe1: {  	v23 =	vld.idx.msk [tilespmem:v26+s25+$0x0], $0xffff  }
0xe2: {  	v38 =	vor.u32 v8, v20;
	v21 =	vadd.f32 v24, v21  }
0xe3: {  	v39 =	vld.idx.msk [tilespmem:v27+s25+$0x0], $0xffff  }
0xe4: {  	v40 =	vor.u32 v11, v20;
	v21 =	vadd.f32 v22, v21  }
0xe5: {  	v22 =	vld.idx.msk [tilespmem:v37+s25+$0x0], $0xffff  }
0xe6: {  	v41 =	vor.u32 v12, v20;
	v21 =	vadd.f32 v23, v21  }
0xe7: {  	v23 =	vld.idx.msk [tilespmem:v38+s25+$0x0], $0xffff  }
0xe8: {  	v42 =	vor.u32 v13, v20;
	v21 =	vadd.f32 v39, v21  }
0xe9: {  	v43 =	vld.idx.msk [tilespmem:v40+s25+$0x0], $0xffff  }
0xea: {  	v44 =	vor.u32 v14, v20;
	v21 =	vadd.f32 v22, v21  }
0xeb: {  	v22 =	vld.idx.msk [tilespmem:v41+s25+$0x0], $0xffff  }
0xec: {  	v45 =	vor.u32 v15, v20;
	v21 =	vadd.f32 v23, v21  }
0xed: {  	v23 =	vld.idx.msk [tilespmem:v42+s25+$0x0], $0xffff  }
0xee: {  	v46 =	vor.u32 v16, v20;
	v21 =	vadd.f32 v43, v21  }
0xef: {  	v47 =	vld.idx.msk [tilespmem:v44+s25+$0x0], $0xffff  }
0xf0: {  	v20 =	vor.u32 v17, v20;
	v21 =	vadd.f32 v22, v21  }
0xf1: {  	v22 =	vld.idx.msk [tilespmem:v45+s25+$0x0], $0xffff  }
0xf2: {  	v21 =	vadd.f32 v23, v21  }
0xf3: {  	v23 =	vld.idx.msk [tilespmem:v46+s25+$0x0], $0xffff  }
0xf4: {  	v21 =	vadd.f32 v47, v21  }
0xf5: {  	v20 =	vld.idx.msk [tilespmem:v20+s25+$0x0], $0xffff  }
0xf6: {  	v21 =	vadd.f32 v22, v21;
	_ =	sdelay $0x1  }
0xf7: {  	v21 =	vadd.f32 v23, v21;
	_ =	sdelay $0x1  }
0xf8: {  	v18 =	vbroadcast v19, $0x0;
	v20 =	vadd.f32 v20, v21;
	_ =	sdelay $0x1  }
0xf9: {  	v19 =	vbroadcast v19, $0x1;
	v20 =	vmul.f32 v20, v18;
	_ =	sdelay $0x1  }
0xfa: {  	v20 =	vadd.f32 v20, v19;
	_ =	sdelay $0x1  }
0xfb: {  	v20 =	vsub.f32 $0.0e+00, v20;
	_ =	sdelay $0x1  }
0xfc: {  	v20 =	vmul.f32 $1.442695020e+00, v20;
	_ =	sdelay $0x1  }
0xfd: {  	(erf) = vpow2.f32 v20;
	_ =	sdelay $0x8  }
0xfe: {  	v20 =	vpop (erf)  }
0xff: {  	v20 =	vadd.f32 $1.000000000e+00, v20;
	_ =	sdelay $0x1  }
0x100: {  	(erf) = vrcp.f32 v20;
	_ =	sdelay $0x1  }
0x101: {  	s2 =	simm.s32 $0x10  }
0x102: {  	v20 =	vmov s2  }
0x103: {  	v20 =	vshll.u32 v20, $0x7  }
0x104: {  	v20 =	vor.u32 v1, v20  }
0x105: {  	v21 =	vor.u32 v0, v20;
	_ =	sdelay $0x1  }
0x106: {  	v22 =	vor.u32 v3, v20  }
0x107: {  	s29 =	simm.s32 $0x18500;
	v23 =	vpop (erf)  }
0x108: {  	v48 =	vor.u32 v4, v20;
	[tilespmem:s29+$0x0] =	vst v23  }
0x109: {  	v21 =	vld.idx.msk [tilespmem:v21+s25+$0x0], $0xffff  }
0x10a: {  	v23 =	vor.u32 v5, v20  }
0x10b: {  	v22 =	vld.idx.msk [tilespmem:v22+s25+$0x0], $0xffff  }
0x10c: {  	v49 =	vor.u32 v6, v20  }
0x10d: {  	v24 =	vld.idx.msk [tilespmem:v48+s25+$0x0], $0xffff  }
0x10e: {  	v50 =	vor.u32 v7, v20;
	v21 =	vadd.f32 $0.0e+00, v21  }
0x10f: {  	v23 =	vld.idx.msk [tilespmem:v23+s25+$0x0], $0xffff  }
0x110: {  	v51 =	vor.u32 v9, v20;
	v21 =	vadd.f32 v22, v21  }
0x111: {  	v22 =	vld.idx.msk [tilespmem:v49+s25+$0x0], $0xffff  }
0x112: {  	v52 =	vor.u32 v10, v20;
	v21 =	vadd.f32 v24, v21  }
0x113: {  	v53 =	vld.idx.msk [tilespmem:v50+s25+$0x0], $0xffff  }
0x114: {  	v54 =	vor.u32 v8, v20;
	v21 =	vadd.f32 v23, v21  }
0x115: {  	v23 =	vld.idx.msk [tilespmem:v51+s25+$0x0], $0xffff  }
0x116: {  	v55 =	vor.u32 v11, v20;
	v21 =	vadd.f32 v22, v21  }
0x117: {  	v22 =	vld.idx.msk [tilespmem:v52+s25+$0x0], $0xffff  }
0x118: {  	v56 =	vor.u32 v12, v20;
	v21 =	vadd.f32 v53, v21  }
0x119: {  	v57 =	vld.idx.msk [tilespmem:v54+s25+$0x0], $0xffff  }
0x11a: {  	v58 =	vor.u32 v13, v20;
	v21 =	vadd.f32 v23, v21  }
0x11b: {  	v23 =	vld.idx.msk [tilespmem:v55+s25+$0x0], $0xffff  }
0x11c: {  	v59 =	vor.u32 v14, v20;
	v21 =	vadd.f32 v22, v21  }
0x11d: {  	v22 =	vld.idx.msk [tilespmem:v56+s25+$0x0], $0xffff  }
0x11e: {  	v60 =	vor.u32 v15, v20;
	v21 =	vadd.f32 v57, v21  }
0x11f: {  	v61 =	vld.idx.msk [tilespmem:v58+s25+$0x0], $0xffff  }
0x120: {  	v62 =	vor.u32 v16, v20;
	v21 =	vadd.f32 v23, v21  }
0x121: {  	v23 =	vld.idx.msk [tilespmem:v59+s25+$0x0], $0xffff  }
0x122: {  	v20 =	vor.u32 v17, v20;
	v21 =	vadd.f32 v22, v21  }
0x123: {  	v22 =	vld.idx.msk [tilespmem:v60+s25+$0x0], $0xffff  }
0x124: {  	v21 =	vadd.f32 v61, v21  }
0x125: {  	v63 =	vld.idx.msk [tilespmem:v62+s25+$0x0], $0xffff  }
0x126: {  	v21 =	vadd.f32 v23, v21  }
0x127: {  	v20 =	vld.idx.msk [tilespmem:v20+s25+$0x0], $0xffff  }
0x128: {  	v21 =	vadd.f32 v22, v21;
	_ =	sdelay $0x1  }
0x129: {  	v21 =	vadd.f32 v63, v21;
	_ =	sdelay $0x1  }
0x12a: {  	v20 =	vadd.f32 v20, v21;
	_ =	sdelay $0x1  }
0x12b: {  	v20 =	vmul.f32 v20, v18;
	_ =	sdelay $0x1  }
0x12c: {  	v20 =	vadd.f32 v20, v19;
	_ =	sdelay $0x1  }
0x12d: {  	v20 =	vsub.f32 $0.0e+00, v20;
	_ =	sdelay $0x1  }
0x12e: {  	v20 =	vmul.f32 $1.442695020e+00, v20;
	_ =	sdelay $0x1  }
0x12f: {  	(erf) = vpow2.f32 v20;
	_ =	sdelay $0x8  }
0x130: {  	v20 =	vpop (erf)  }
0x131: {  	v20 =	vadd.f32 $1.000000000e+00, v20;
	_ =	sdelay $0x1  }
0x132: {  	(erf) = vrcp.f32 v20;
	_ =	sdelay $0x1  }
0x133: {  	s31 =	simm.s32 $0x20  }
0x134: {  	s30 =	simm.s32 $0x30;
	v20 =	vmov s31  }
.LBB2_5:
0x135: {  	p0 =	sne.s32 s30, $0x1F0;
	v20 =	vshll.u32 v20, $0x7  }
0x136: {  	v20 =	vor.u32 v1, v20  }
0x137: {  	v21 =	vor.u32 v0, v20;
	_ =	sdelay $0x1  }
0x138: {  	v22 =	vor.u32 v3, v20  }
0x139: {  	s29 =	sadd.s32 $0x10, s29;
	v23 =	vpop (erf)  }
0x13a: {  	v24 =	vor.u32 v4, v20;
	[tilespmem:s29+$0x0] =	vst v23  }
0x13b: {  	v21 =	vld.idx.msk [tilespmem:v21+s25+$0x0], $0xffff  }
0x13c: {  	v23 =	vor.u32 v5, v20  }
0x13d: {  	v22 =	vld.idx.msk [tilespmem:v22+s25+$0x0], $0xffff  }
0x13e: {  	v25 =	vor.u32 v6, v20  }
0x13f: {  	v24 =	vld.idx.msk [tilespmem:v24+s25+$0x0], $0xffff  }
0x140: {  	v26 =	vor.u32 v7, v20  }
0x141: {  	v21 =	vadd.f32 $0.0e+00, v21;
	v23 =	vld.idx.msk [tilespmem:v23+s25+$0x0], $0xffff  }
0x142: {  	v27 =	vor.u32 v9, v20  }
0x143: {  	v21 =	vadd.f32 v22, v21;
	v22 =	vld.idx.msk [tilespmem:v25+s25+$0x0], $0xffff  }
0x144: {  	v25 =	vor.u32 v10, v20  }
0x145: {  	v21 =	vadd.f32 v24, v21;
	v24 =	vld.idx.msk [tilespmem:v26+s25+$0x0], $0xffff  }
0x146: {  	v26 =	vor.u32 v8, v20  }
0x147: {  	v21 =	vadd.f32 v23, v21;
	v23 =	vld.idx.msk [tilespmem:v27+s25+$0x0], $0xffff  }
0x148: {  	v27 =	vor.u32 v11, v20  }
0x149: {  	v21 =	vadd.f32 v22, v21;
	v22 =	vld.idx.msk [tilespmem:v25+s25+$0x0], $0xffff  }
0x14a: {  	v25 =	vor.u32 v12, v20  }
0x14b: {  	v21 =	vadd.f32 v24, v21;
	v24 =	vld.idx.msk [tilespmem:v26+s25+$0x0], $0xffff  }
0x14c: {  	v26 =	vor.u32 v13, v20  }
0x14d: {  	v21 =	vadd.f32 v23, v21;
	v23 =	vld.idx.msk [tilespmem:v27+s25+$0x0], $0xffff  }
0x14e: {  	v27 =	vor.u32 v14, v20  }
0x14f: {  	v21 =	vadd.f32 v22, v21;
	v22 =	vld.idx.msk [tilespmem:v25+s25+$0x0], $0xffff  }
0x150: {  	v25 =	vor.u32 v15, v20  }
0x151: {  	v21 =	vadd.f32 v24, v21;
	v24 =	vld.idx.msk [tilespmem:v26+s25+$0x0], $0xffff  }
0x152: {  	v26 =	vor.u32 v16, v20  }
0x153: {  	v21 =	vadd.f32 v23, v21;
	v23 =	vld.idx.msk [tilespmem:v27+s25+$0x0], $0xffff  }
0x154: {  	v20 =	vor.u32 v17, v20  }
0x155: {  	v21 =	vadd.f32 v22, v21;
	v22 =	vld.idx.msk [tilespmem:v25+s25+$0x0], $0xffff;
	_ =	sdelay $0x1  }
0x156: {  	v21 =	vadd.f32 v24, v21;
	v24 =	vld.idx.msk [tilespmem:v26+s25+$0x0], $0xffff;
	_ =	sdelay $0x1  }
0x157: {  	v21 =	vadd.f32 v23, v21;
	v20 =	vld.idx.msk [tilespmem:v20+s25+$0x0], $0xffff;
	_ =	sdelay $0x1  }
0x158: {  	v21 =	vadd.f32 v22, v21;
	_ =	sdelay $0x1  }
0x159: {  	v21 =	vadd.f32 v24, v21;
	_ =	sdelay $0x1  }
0x15a: {  	v20 =	vadd.f32 v20, v21;
	_ =	sdelay $0x1  }
0x15b: {  	v20 =	vmul.f32 v20, v18;
	_ =	sdelay $0x1  }
0x15c: {  	v20 =	vadd.f32 v20, v19;
	_ =	sdelay $0x1  }
0x15d: {  	v20 =	vsub.f32 $0.0e+00, v20;
	_ =	sdelay $0x1  }
0x15e: {  	v20 =	vmul.f32 $1.442695020e+00, v20;
	_ =	sdelay $0x1  }
0x15f: {  	(erf) = vpow2.f32 v20;
	_ =	sdelay $0x8  }
0x160: {  	v20 =	vpop (erf)  }
0x161: {  	v20 =	vadd.f32 $1.000000000e+00, v20  }
.Ltmp2:
0x162: {  	(pc) =	sbr.rel @p0 .LBB2_5-.Ltmp2, $2  }
0x163: {  	(erf) = vrcp.f32 v20;
	_ =	sdelay $0x2  }
0x164: {  	v20 =	vmov s30;
	s30 =	sadd.s32 $0x10, s30  }
0x165: {  	v20 =	vshll.u32 v20, $0x7  }
0x166: {  	v20 =	vor.u32 v1, v20  }
0x167: {  	v21 =	vor.u32 v0, v20;
	_ =	sdelay $0x1  }
0x168: {  	v22 =	vor.u32 v3, v20  }
0x169: {  	s2 =	sadd.s32 $0x10, s29;
	v23 =	vpop (erf)  }
0x16a: {  	v24 =	vor.u32 v4, v20;
	[tilespmem:s2+$0x0] =	vst v23  }
0x16b: {  	v21 =	vld.idx.msk [tilespmem:v21+s25+$0x0], $0xffff  }
0x16c: {  	v44 =	vor.u32 v5, v20  }
0x16d: {  	v22 =	vld.idx.msk [tilespmem:v22+s25+$0x0], $0xffff  }
0x16e: {  	v25 =	vor.u32 v6, v20  }
0x16f: {  	v24 =	vld.idx.msk [tilespmem:v24+s25+$0x0], $0xffff  }
0x170: {  	v26 =	vor.u32 v7, v20;
	v21 =	vadd.f32 $0.0e+00, v21  }
0x171: {  	v23 =	vld.idx.msk [tilespmem:v44+s25+$0x0], $0xffff  }
0x172: {  	v27 =	vor.u32 v9, v20;
	v21 =	vadd.f32 v22, v21  }
0x173: {  	v45 =	vld.idx.msk [tilespmem:v25+s25+$0x0], $0xffff  }
0x174: {  	v46 =	vor.u32 v10, v20;
	v21 =	vadd.f32 v24, v21  }
0x175: {  	v47 =	vld.idx.msk [tilespmem:v26+s25+$0x0], $0xffff  }
0x176: {  	v48 =	vor.u32 v8, v20;
	v21 =	vadd.f32 v23, v21  }
0x177: {  	v49 =	vld.idx.msk [tilespmem:v27+s25+$0x0], $0xffff  }
0x178: {  	v50 =	vor.u32 v11, v20;
	v21 =	vadd.f32 v45, v21  }
0x179: {  	v51 =	vld.idx.msk [tilespmem:v46+s25+$0x0], $0xffff  }
0x17a: {  	v52 =	vor.u32 v12, v20;
	v21 =	vadd.f32 v47, v21  }
0x17b: {  	v53 =	vld.idx.msk [tilespmem:v48+s25+$0x0], $0xffff  }
0x17c: {  	v54 =	vor.u32 v13, v20;
	v21 =	vadd.f32 v49, v21  }
0x17d: {  	v55 =	vld.idx.msk [tilespmem:v50+s25+$0x0], $0xffff  }
0x17e: {  	v56 =	vor.u32 v14, v20;
	v21 =	vadd.f32 v51, v21  }
0x17f: {  	v57 =	vld.idx.msk [tilespmem:v52+s25+$0x0], $0xffff  }
0x180: {  	v58 =	vor.u32 v15, v20;
	v21 =	vadd.f32 v53, v21  }
0x181: {  	v59 =	vld.idx.msk [tilespmem:v54+s25+$0x0], $0xffff  }
0x182: {  	v60 =	vor.u32 v16, v20;
	v21 =	vadd.f32 v55, v21  }
0x183: {  	v61 =	vld.idx.msk [tilespmem:v56+s25+$0x0], $0xffff  }
0x184: {  	v20 =	vor.u32 v17, v20;
	v21 =	vadd.f32 v57, v21  }
0x185: {  	v62 =	vld.idx.msk [tilespmem:v58+s25+$0x0], $0xffff  }
0x186: {  	v21 =	vadd.f32 v59, v21  }
0x187: {  	v63 =	vld.idx.msk [tilespmem:v60+s25+$0x0], $0xffff  }
0x188: {  	v21 =	vadd.f32 v61, v21  }
0x189: {  	v20 =	vld.idx.msk [tilespmem:v20+s25+$0x0], $0xffff  }
0x18a: {  	v21 =	vadd.f32 v62, v21;
	_ =	sdelay $0x1  }
0x18b: {  	v21 =	vadd.f32 v63, v21;
	_ =	sdelay $0x1  }
0x18c: {  	v20 =	vadd.f32 v20, v21;
	_ =	sdelay $0x1  }
0x18d: {  	v18 =	vmul.f32 v20, v18;
	_ =	sdelay $0x1  }
0x18e: {  	v18 =	vadd.f32 v18, v19;
	_ =	sdelay $0x1  }
0x18f: {  	v18 =	vsub.f32 $0.0e+00, v18;
	_ =	sdelay $0x1  }
0x190: {  	v18 =	vmul.f32 $1.442695020e+00, v18;
	_ =	sdelay $0x1  }
0x191: {  	(erf) = vpow2.f32 v18;
	_ =	sdelay $0x8  }
0x192: {  	v18 =	vpop (erf)  }
0x193: {  	v18 =	vadd.f32 $1.000000000e+00, v18;
	_ =	sdelay $0x1  }
0x194: {  	(erf) = vrcp.f32 v18;
	_ =	sdelay $0x7  }
0x195: {  	s28 =	sadd.s32 $0x1, s28  }
0x196: {  	p0 =	sne.s32 s28, s9;
	s2 =	sadd.s32 $0x10, s2;
	v18 =	vpop (erf)  }
.Ltmp3:
0x197: {  	[tilespmem:s2+$0x0] =	vst v18;
	(pc) =	sbr.rel @p0 .LBB2_1-.Ltmp3, $4  }
0x198: {  	[hbm4b:s8+s4] =	stream.linear.scatter [tilespmem:s26], [sflag:$0x3], $0x200, $0x38;
	[tilespmem:$0x18780] =	vst v63  }
0x199: {  	_ =	swait.ge [sflag:s10], $0x200  }
0x19a: {  	[sflag:s10] =	ssyncset.done $0x0  }
0x19b: {  	[sflag:s10] =	ssyncadd.s32 $0xFFFFFE00  }
0x19c: {  	_ =	sfence.sel $0x180000  }
0x19d: {  	[bflag:$0x0] =	sbarrier.arrive $0xFFFF  }
0x19e: {  	_ =	strace $0x90000047  }
0x19f: {  	s0 =	stileid.u32;
	[bflag:$0x2] =	sbarrier.arrive $0xFFFF  }
0x1a0: {  	p0 =	sne.s32 s0, $0x0;
	s0 =	rddreg [dreg:$0x4]  }
0x1a1: {  	s0 =	sadd.s32 @!p0 $0x100000, s0  }
0x1a2: {  	[sflag:s0] =	ssyncadd.tile.s32 @!p0 $0x1;
	_ =	shalt  }
.Lfunc_end2:
_tile_overlayer_lowered:
.L_overlay_start_2:
0x1a3: {  	(tag) =	ssettag $0x2  }
0x1a4: {  	s0 =	rddreg [dreg:$0x0];
	s2 =	stileid.u32  }
0x1a5: {  	s1 =	rddreg [dreg:$0x1];
	p0 =	sne.s32 s2, $0x0  }
0x1a6: {  	s3 =	rddreg [dreg:$0x2];
	[bflag:$0x3] =	sbarrier.arrive $0xFFFF;
	s2 =	simm.s32 @!p0 $0x1C03  }
0x1a7: {  	[timem:s3], [sflag:s2] =	dma.local @!p0 [hbm:s0], s1  }
0x1a8: {  	s0 =	simm.s32 @!p0 $0x3  }
0x1a9: {  	_ =	swait.ge @!p0 [sflag:s0], s1  }
0x1aa: {  	s1 =	ssub.s32 @!p0 $0x0, s1;
	[sflag:s0] =	ssyncset.done @!p0 $0x0  }
0x1ab: {  	[sflag:s0] =	ssyncadd.s32 @!p0 s1  }
0x1ac: {  	[bflag:$0x3] =	sbarrier.arrive $0xFFFF  }
0x1ad: {  	_ =	shalt  }

</sc_bundles>
